<compile_context>
chip_gen: v7x
topology: tpu7x:2x2x1
jax: 0.10.2.dev20260603
libtpu: 0.0.44.dev20260713+nightly
codegen_flags: <defaults>
</compile_context>

<pallas_src>
import functools

import jax
import jax.numpy as jnp
from jax import lax
from jax.experimental import pallas as pl
from jax.experimental.pallas import tpu as pltpu
from jax.experimental.pallas import tpu_sc as plsc

N = 10000
E = 320000
D = 128
DG = 64

NC = 2
NS = 16
NW = NC * NS

CHUNK = 128
CROWS = 1
BIG = CROWS * CHUNK
NBUF = 2
NCH_C = (80, 80)
NCH_MAX = max(NCH_C)

N_ACC = 10112
ROWS_ACC = N_ACC // NS
N_TAIL = N - (NS - 1) * ROWS_ACC

_sc_mesh = plsc.VectorSubcoreMesh(
    core_axis_name="c", subcore_axis_name="s", num_cores=NC)


@functools.partial(
    pl.kernel,
    out_type=jax.ShapeDtypeStruct((NC, N_ACC, DG), jnp.float32),
    mesh=_sc_mesh,
    scratch_types=[
        pltpu.VMEM((NCH_MAX, BIG), jnp.int32),
        pltpu.VMEM((NCH_MAX, BIG), jnp.int32),
        pltpu.VMEM((BIG, DG), jnp.float32),
        pltpu.VMEM((BIG, DG), jnp.float32),
        pltpu.VMEM_SHARED((N, DG), jnp.float32),
        pltpu.VMEM_SHARED((N_ACC, DG), jnp.float32),
        pltpu.SemaphoreType.DMA,
        pltpu.SemaphoreType.DMA,
    ],
    compiler_params=pltpu.CompilerParams(use_tc_tiling_on_sc=False,
                                         skip_device_barrier=True),
)
def _sc_segment_sum(h_hbm, src_hbm, dst_hbm, zero_hbm, out_hbm,
                    src_v, dst_v, buf0, buf1, h_sh, acc_sh, s0, s1):
    bufs = (buf0, buf1)
    sems = (s0, s1)
    cid = lax.axis_index("c")
    sid = lax.axis_index("s")
    wid = cid * NS + sid

    row0 = sid * ROWS_ACC
    with jax.named_scope("seg_init"):
        pltpu.sync_copy(zero_hbm.at[pl.ds(row0, ROWS_ACC)],
                        acc_sh.at[pl.ds(row0, ROWS_ACC)])

        @pl.when(sid < NS - 1)
        def _():
            pltpu.sync_copy(h_hbm.at[pl.ds(row0, ROWS_ACC)],
                            h_sh.at[pl.ds(row0, ROWS_ACC)])

        @pl.when(sid == NS - 1)
        def _():
            pltpu.sync_copy(h_hbm.at[pl.ds((NS - 1) * ROWS_ACC, N_TAIL)],
                            h_sh.at[pl.ds((NS - 1) * ROWS_ACC, N_TAIL)])

        pltpu.sync_copy(src_hbm.at[wid], src_v)
        pltpu.sync_copy(dst_hbm.at[wid], dst_v)
        plsc.subcore_barrier()

    def fire(j, rows_v, sem):
        pltpu.async_copy(h_sh.at[src_v.at[j]], rows_v, sem)

    def gwait(j, rows_v, sem):
        pltpu.make_async_copy(h_sh.at[src_v.at[j]], rows_v, sem).wait()

    def scatter(j, rows_v):
        pltpu.sync_copy(rows_v, acc_sh.at[dst_v.at[j]], add=True)

    n_my = lax.select(cid == 0, NCH_C[0], NCH_C[1])
    n_loop = lax.select(cid == 0, NCH_C[0] // NBUF - 1, NCH_C[1] // NBUF - 1)
    for b in range(NBUF):
        fire(b, bufs[b], sems[b])

    def body(g, carry):
        for b in range(NBUF):
            j = g * NBUF + b
            gwait(j, bufs[b], sems[b])
            scatter(j, bufs[b])
            fire(j + NBUF, bufs[b], sems[b])
        return carry

    with jax.named_scope("seg_edges"):
        lax.fori_loop(0, n_loop, body, 0)
        for b in range(NBUF):
            j = n_my - NBUF + b
            gwait(j, bufs[b], sems[b])
            scatter(j, bufs[b])
        plsc.subcore_barrier()

    with jax.named_scope("seg_out"):
        pltpu.sync_copy(acc_sh.at[pl.ds(row0, ROWS_ACC)],
                        out_hbm.at[cid, pl.ds(row0, ROWS_ACC)])


def _tc_mm_kernel(x_ref, w_ref, h_ref):
    h_ref[...] = jnp.maximum(
        jnp.dot(x_ref[...], w_ref[...], preferred_element_type=jnp.float32), 0.0)


def _tc_add_mm_kernel(x0_ref, p_ref, w_ref, y_ref, h_ref):
    y = x0_ref[...] + p_ref[0, :N] + p_ref[1, :N]
    y_ref[...] = y
    h_ref[...] = jnp.maximum(
        jnp.dot(y, w_ref[...], preferred_element_type=jnp.float32), 0.0)


def _tc_final_kernel(y0_ref, x1_ref, p_ref, out_ref):
    out_ref[:, :DG] = y0_ref[...]
    out_ref[:, DG:] = x1_ref[...] + p_ref[0, :N] + p_ref[1, :N]


_tc_mm = pl.pallas_call(
    _tc_mm_kernel,
    out_shape=jax.ShapeDtypeStruct((N, DG), jnp.float32),
)

_tc_add_mm = pl.pallas_call(
    _tc_add_mm_kernel,
    out_shape=(jax.ShapeDtypeStruct((N, DG), jnp.float32),
               jax.ShapeDtypeStruct((N, DG), jnp.float32)),
)

_tc_final = pl.pallas_call(
    _tc_final_kernel,
    out_shape=jax.ShapeDtypeStruct((N, D), jnp.float32),
)


@jax.jit
def kernel(x, edge_index, W0, W1):
    x0 = x[:, :DG]
    x1 = x[:, DG:]

    e0 = NS * NCH_C[0] * BIG
    e1 = NS * NCH_C[1] * BIG
    pad = e0 + e1 - E

    def _layout(a):
        parts = []
        for c, n_edges in ((0, e0), (1, e1)):
            lo = 0 if c == 0 else e0
            blk = a[lo:lo + n_edges].reshape(NS, NCH_C[c], BIG)
            blk = jnp.pad(blk, ((0, 0), (0, NCH_MAX - NCH_C[c]), (0, 0)))
            parts.append(blk)
        return jnp.concatenate(parts, axis=0)

    src = jnp.concatenate([edge_index[0], jnp.zeros((pad,), jnp.int32)])
    dst = jnp.concatenate([edge_index[1], jnp.full((pad,), N, jnp.int32)])
    src_r = _layout(src)
    dst_r = _layout(dst)
    zeros = jnp.zeros((N_ACC, DG), jnp.float32)

    h0 = _tc_mm(x1, W0)
    p0 = _sc_segment_sum(h0, src_r, dst_r, zeros)
    y0, h1 = _tc_add_mm(x0, p0, W1)
    p1 = _sc_segment_sum(h1, src_r, dst_r, zeros)
    return _tc_final(y0, x1, p1)

# --- scband reference (transcript-rebuilt; emitter-appended) ---
"""Pipeline reference for scband-group-additive-coupling-71829033058963 (READ-ONLY COPY).

The authoritative reference and input builder live on the scoring server;
editing this copy changes nothing except your own understanding.
"""

import jax, jax.numpy as jnp
import numpy as np

N = 10000
E = 320000
D = 128
GROUP = 2
DG = D // GROUP  # 64, channels each Fm operates on


def setup_inputs(seed: int = 0) -> dict:
    key = jax.random.key(seed)
    k1, k2, k3, k4 = jax.random.split(key, 4)
    x = jax.random.normal(k1, (N, D), dtype=jnp.float32)
    edge_index = jax.random.randint(k2, (2, E), 0, N, dtype=jnp.int32)
    # Learned parameters of the two Fm GNN blocks (ModuleList Fms)
    W0 = jax.random.normal(k3, (DG, DG), dtype=jnp.float32) * (1.0 / np.sqrt(DG))
    W1 = jax.random.normal(k4, (DG, DG), dtype=jnp.float32) * (1.0 / np.sqrt(DG))
    return {"x": x, "edge_index": edge_index, "W0": W0, "W1": W1}


def _fm(y, W, src, dst):
    # Fm_i: linear transform + relu, then message passing (scatter-add to dst nodes)
    h = jax.nn.relu(y @ W)
    msg = jnp.take(h, src, axis=0)
    return jax.ops.segment_sum(msg, dst, num_segments=N)


def reference(x, edge_index, W0, W1):
    src = edge_index[0]
    dst = edge_index[1]
    Ws = [W0, W1]
    # xs = torch.chunk(x, group, dim=split_dim)
    xs = [x[:, i * DG:(i + 1) * DG] for i in range(GROUP)]
    # y_in = sum(xs[1:])
    y_in = xs[1]
    for j in range(2, GROUP):
        y_in = y_in + xs[j]
    ys = []
    for i in range(GROUP):
        Fmd = _fm(y_in, Ws[i], src, dst)
        y = xs[i] + Fmd
        y_in = y
        ys.append(y)
    out = jnp.concatenate(ys, axis=-1)
    return out

if __name__ == "__main__":
    import jax
    _d = setup_inputs()
    print(jax.jit(kernel)(*tuple(_d.values())))

</pallas_src>

<mosaic_0001>
#map = affine_map<(d0, d1) -> (0, 0)>
#map1 = affine_map<(d0, d1) -> (0, 0, 0)>
module attributes {stable_mosaic.version = 14 : i64} {
  func.func @_sc_segment_sum(%arg0: i32, %arg1: i32, %arg2: memref<10000x64xf32, #tpu.memory_space<hbm>>, %arg3: memref<32x80x128xi32, #tpu.memory_space<hbm>>, %arg4: memref<32x80x128xi32, #tpu.memory_space<hbm>>, %arg5: memref<10112x64xf32, #tpu.memory_space<hbm>>, %arg6: memref<2x10112x64xf32, #tpu.memory_space<hbm>>, %arg7: memref<80x128xi32, #tpu.memory_space<vmem>>, %arg8: memref<80x128xi32, #tpu.memory_space<vmem>>, %arg9: memref<128x64xf32, #tpu.memory_space<vmem>>, %arg10: memref<128x64xf32, #tpu.memory_space<vmem>>, %arg11: memref<10000x64xf32, #tpu.memory_space<vmem_shared>>, %arg12: memref<10112x64xf32, #tpu.memory_space<vmem_shared>>, %arg13: memref<!tpu.dma_semaphore, #tpu.memory_space<semaphore_mem>>, %arg14: memref<!tpu.dma_semaphore, #tpu.memory_space<semaphore_mem>>) attributes {dimension_semantics = [#tpu.dimension_semantics<core_parallel>, #tpu.dimension_semantics<subcore_parallel>], iteration_bounds = array<i64: 2, 16>, scalar_prefetch = 0 : i64, scratch_operands = 8 : i64, tpu.core_type = #tpu.core_type<sc_vector_subcore>, window_params = [{transform_indices = #map}, {transform_indices = #map1}, {transform_indices = #map1}, {transform_indices = #map}, {transform_indices = #map1}]} {
    %mul3A = arith.constant 16 : i32
    %mul3A_0 = arith.muli %arg0, %mul3A : i32
    %add3A = arith.addi %mul3A_0, %arg1 : i32
    %mul3A_1 = arith.constant 632 : i32
    %mul3A_2 = arith.muli %arg1, %mul3A_1 : i32
    "tpu.trace_start"() <{level = 10 : i32, message = "seg_init"}> : () -> ()
    "tpu.region"() ({
      %run_scoped3A = tpu.sem_alloc : memref<!tpu.dma_semaphore, #tpu.memory_space<semaphore_mem>>
      %dma_start3A_59 = arith.constant 0 : i32
      %dma_start3A_60 = tpu.memref_slice %arg12[%mul3A_2, %dma_start3A_59] : memref<10112x64xf32, #tpu.memory_space<vmem_shared>> -> memref<632x64xf32, #tpu.memory_space<vmem_shared>>
      %dma_start3A_61 = arith.constant 0 : i32
      %dma_start3A_62 = tpu.memref_slice %arg5[%mul3A_2, %dma_start3A_61] : memref<10112x64xf32, #tpu.memory_space<hbm>> -> memref<632x64xf32, #tpu.memory_space<hbm>>
      tpu.enqueue_dma source(%dma_start3A_62 : memref<632x64xf32, #tpu.memory_space<hbm>>) target(%dma_start3A_60 : memref<632x64xf32, #tpu.memory_space<vmem_shared>>) target_semaphore(%run_scoped3A : memref<!tpu.dma_semaphore, #tpu.memory_space<semaphore_mem>>)
      %dma_wait3A_63 = arith.constant 0 : i32
      %dma_wait3A_64 = tpu.memref_slice %arg12[%mul3A_2, %dma_wait3A_63] : memref<10112x64xf32, #tpu.memory_space<vmem_shared>> -> memref<632x64xf32, #tpu.memory_space<vmem_shared>>
      %dma_wait3A_65 = arith.constant 0 : i32
      %dma_wait3A_66 = tpu.memref_slice %arg5[%mul3A_2, %dma_wait3A_65] : memref<10112x64xf32, #tpu.memory_space<hbm>> -> memref<632x64xf32, #tpu.memory_space<hbm>>
      tpu.wait_dma2 semaphore(%run_scoped3A : memref<!tpu.dma_semaphore, #tpu.memory_space<semaphore_mem>>) src(%dma_wait3A_66 : memref<632x64xf32, #tpu.memory_space<hbm>>) dst(%dma_wait3A_64 : memref<632x64xf32, #tpu.memory_space<vmem_shared>>)
      tpu.yield
    }) : () -> ()
    %lt3A = arith.constant 15 : i32
    %lt3A_3 = arith.cmpi slt, %arg1, %lt3A : i32
    %convert_element_type3A = arith.extui %lt3A_3 : i1 to i32
    %cond3A = arith.constant 0 : i32
    %cond3A_4 = arith.cmpi ne, %convert_element_type3A, %cond3A : i32
    scf.if %cond3A_4 {
      "tpu.region"() ({
        %run_scoped3A = tpu.sem_alloc : memref<!tpu.dma_semaphore, #tpu.memory_space<semaphore_mem>>
        %dma_start3A_59 = arith.constant 0 : i32
        %dma_start3A_60 = tpu.memref_slice %arg11[%mul3A_2, %dma_start3A_59] : memref<10000x64xf32, #tpu.memory_space<vmem_shared>> -> memref<632x64xf32, #tpu.memory_space<vmem_shared>>
        %dma_start3A_61 = arith.constant 0 : i32
        %dma_start3A_62 = tpu.memref_slice %arg2[%mul3A_2, %dma_start3A_61] : memref<10000x64xf32, #tpu.memory_space<hbm>> -> memref<632x64xf32, #tpu.memory_space<hbm>>
        tpu.enqueue_dma source(%dma_start3A_62 : memref<632x64xf32, #tpu.memory_space<hbm>>) target(%dma_start3A_60 : memref<632x64xf32, #tpu.memory_space<vmem_shared>>) target_semaphore(%run_scoped3A : memref<!tpu.dma_semaphore, #tpu.memory_space<semaphore_mem>>)
        %dma_wait3A_63 = arith.constant 0 : i32
        %dma_wait3A_64 = tpu.memref_slice %arg11[%mul3A_2, %dma_wait3A_63] : memref<10000x64xf32, #tpu.memory_space<vmem_shared>> -> memref<632x64xf32, #tpu.memory_space<vmem_shared>>
        %dma_wait3A_65 = arith.constant 0 : i32
        %dma_wait3A_66 = tpu.memref_slice %arg2[%mul3A_2, %dma_wait3A_65] : memref<10000x64xf32, #tpu.memory_space<hbm>> -> memref<632x64xf32, #tpu.memory_space<hbm>>
        tpu.wait_dma2 semaphore(%run_scoped3A : memref<!tpu.dma_semaphore, #tpu.memory_space<semaphore_mem>>) src(%dma_wait3A_66 : memref<632x64xf32, #tpu.memory_space<hbm>>) dst(%dma_wait3A_64 : memref<632x64xf32, #tpu.memory_space<vmem_shared>>)
        tpu.yield
      }) : () -> ()
    } else {
    }
    %eq3A = arith.constant 15 : i32
    %eq3A_5 = arith.cmpi eq, %arg1, %eq3A : i32
    %convert_element_type3A_6 = arith.extui %eq3A_5 : i1 to i32
    %cond3A_7 = arith.constant 0 : i32
    %cond3A_8 = arith.cmpi ne, %convert_element_type3A_6, %cond3A_7 : i32
    scf.if %cond3A_8 {
      "tpu.region"() ({
        %run_scoped3A = tpu.sem_alloc : memref<!tpu.dma_semaphore, #tpu.memory_space<semaphore_mem>>
        %dma_start3A_59 = arith.constant 9480 : i32
        %dma_start3A_60 = arith.constant 0 : i32
        %dma_start3A_61 = tpu.memref_slice %arg11[%dma_start3A_59, %dma_start3A_60] : memref<10000x64xf32, #tpu.memory_space<vmem_shared>> -> memref<520x64xf32, #tpu.memory_space<vmem_shared>>
        %dma_start3A_62 = arith.constant 9480 : i32
        %dma_start3A_63 = arith.constant 0 : i32
        %dma_start3A_64 = tpu.memref_slice %arg2[%dma_start3A_62, %dma_start3A_63] : memref<10000x64xf32, #tpu.memory_space<hbm>> -> memref<520x64xf32, #tpu.memory_space<hbm>>
        tpu.enqueue_dma source(%dma_start3A_64 : memref<520x64xf32, #tpu.memory_space<hbm>>) target(%dma_start3A_61 : memref<520x64xf32, #tpu.memory_space<vmem_shared>>) target_semaphore(%run_scoped3A : memref<!tpu.dma_semaphore, #tpu.memory_space<semaphore_mem>>)
        %dma_wait3A_65 = arith.constant 9480 : i32
        %dma_wait3A_66 = arith.constant 0 : i32
        %dma_wait3A_67 = tpu.memref_slice %arg11[%dma_wait3A_65, %dma_wait3A_66] : memref<10000x64xf32, #tpu.memory_space<vmem_shared>> -> memref<520x64xf32, #tpu.memory_space<vmem_shared>>
        %dma_wait3A_68 = arith.constant 9480 : i32
        %dma_wait3A_69 = arith.constant 0 : i32
        %dma_wait3A_70 = tpu.memref_slice %arg2[%dma_wait3A_68, %dma_wait3A_69] : memref<10000x64xf32, #tpu.memory_space<hbm>> -> memref<520x64xf32, #tpu.memory_space<hbm>>
        tpu.wait_dma2 semaphore(%run_scoped3A : memref<!tpu.dma_semaphore, #tpu.memory_space<semaphore_mem>>) src(%dma_wait3A_70 : memref<520x64xf32, #tpu.memory_space<hbm>>) dst(%dma_wait3A_67 : memref<520x64xf32, #tpu.memory_space<vmem_shared>>)
        tpu.yield
      }) : () -> ()
    } else {
    }
    "tpu.region"() ({
      %run_scoped3A = tpu.sem_alloc : memref<!tpu.dma_semaphore, #tpu.memory_space<semaphore_mem>>
      %dma_start3A_59 = arith.constant 0 : i32
      %dma_start3A_60 = arith.constant 0 : i32
      %dma_start3A_61 = tpu.memref_slice %arg3[%add3A, %dma_start3A_59, %dma_start3A_60] : memref<32x80x128xi32, #tpu.memory_space<hbm>> -> memref<1x80x128xi32, #tpu.memory_space<hbm>>
      %dma_start3A_62 = tpu.memref_squeeze %dma_start3A_61 : memref<1x80x128xi32, #tpu.memory_space<hbm>> -> memref<80x128xi32, #tpu.memory_space<hbm>>
      %dma_start3A_63 = arith.constant 0 : i32
      %dma_start3A_64 = arith.constant 0 : i32
      %dma_start3A_65 = tpu.memref_slice %arg3[%add3A, %dma_start3A_63, %dma_start3A_64] : memref<32x80x128xi32, #tpu.memory_space<hbm>> -> memref<1x80x128xi32, #tpu.memory_space<hbm>>
      %dma_start3A_66 = tpu.memref_squeeze %dma_start3A_65 : memref<1x80x128xi32, #tpu.memory_space<hbm>> -> memref<80x128xi32, #tpu.memory_space<hbm>>
      tpu.enqueue_dma source(%dma_start3A_66 : memref<80x128xi32, #tpu.memory_space<hbm>>) target(%arg7 : memref<80x128xi32, #tpu.memory_space<vmem>>) target_semaphore(%run_scoped3A : memref<!tpu.dma_semaphore, #tpu.memory_space<semaphore_mem>>)
      %dma_wait3A_67 = arith.constant 0 : i32
      %dma_wait3A_68 = arith.constant 0 : i32
      %dma_wait3A_69 = tpu.memref_slice %arg3[%add3A, %dma_wait3A_67, %dma_wait3A_68] : memref<32x80x128xi32, #tpu.memory_space<hbm>> -> memref<1x80x128xi32, #tpu.memory_space<hbm>>
      %dma_wait3A_70 = tpu.memref_squeeze %dma_wait3A_69 : memref<1x80x128xi32, #tpu.memory_space<hbm>> -> memref<80x128xi32, #tpu.memory_space<hbm>>
      %dma_wait3A_71 = arith.constant 0 : i32
      %dma_wait3A_72 = arith.constant 0 : i32
      %dma_wait3A_73 = tpu.memref_slice %arg3[%add3A, %dma_wait3A_71, %dma_wait3A_72] : memref<32x80x128xi32, #tpu.memory_space<hbm>> -> memref<1x80x128xi32, #tpu.memory_space<hbm>>
      %dma_wait3A_74 = tpu.memref_squeeze %dma_wait3A_73 : memref<1x80x128xi32, #tpu.memory_space<hbm>> -> memref<80x128xi32, #tpu.memory_space<hbm>>
      tpu.wait_dma2 semaphore(%run_scoped3A : memref<!tpu.dma_semaphore, #tpu.memory_space<semaphore_mem>>) src(%dma_wait3A_74 : memref<80x128xi32, #tpu.memory_space<hbm>>) dst(%arg7 : memref<80x128xi32, #tpu.memory_space<vmem>>)
      tpu.yield
    }) : () -> ()
    "tpu.region"() ({
      %run_scoped3A = tpu.sem_alloc : memref<!tpu.dma_semaphore, #tpu.memory_space<semaphore_mem>>
      %dma_start3A_59 = arith.constant 0 : i32
      %dma_start3A_60 = arith.constant 0 : i32
      %dma_start3A_61 = tpu.memref_slice %arg4[%add3A, %dma_start3A_59, %dma_start3A_60] : memref<32x80x128xi32, #tpu.memory_space<hbm>> -> memref<1x80x128xi32, #tpu.memory_space<hbm>>
      %dma_start3A_62 = tpu.memref_squeeze %dma_start3A_61 : memref<1x80x128xi32, #tpu.memory_space<hbm>> -> memref<80x128xi32, #tpu.memory_space<hbm>>
      %dma_start3A_63 = arith.constant 0 : i32
      %dma_start3A_64 = arith.constant 0 : i32
      %dma_start3A_65 = tpu.memref_slice %arg4[%add3A, %dma_start3A_63, %dma_start3A_64] : memref<32x80x128xi32, #tpu.memory_space<hbm>> -> memref<1x80x128xi32, #tpu.memory_space<hbm>>
      %dma_start3A_66 = tpu.memref_squeeze %dma_start3A_65 : memref<1x80x128xi32, #tpu.memory_space<hbm>> -> memref<80x128xi32, #tpu.memory_space<hbm>>
      tpu.enqueue_dma source(%dma_start3A_66 : memref<80x128xi32, #tpu.memory_space<hbm>>) target(%arg8 : memref<80x128xi32, #tpu.memory_space<vmem>>) target_semaphore(%run_scoped3A : memref<!tpu.dma_semaphore, #tpu.memory_space<semaphore_mem>>)
      %dma_wait3A_67 = arith.constant 0 : i32
      %dma_wait3A_68 = arith.constant 0 : i32
      %dma_wait3A_69 = tpu.memref_slice %arg4[%add3A, %dma_wait3A_67, %dma_wait3A_68] : memref<32x80x128xi32, #tpu.memory_space<hbm>> -> memref<1x80x128xi32, #tpu.memory_space<hbm>>
      %dma_wait3A_70 = tpu.memref_squeeze %dma_wait3A_69 : memref<1x80x128xi32, #tpu.memory_space<hbm>> -> memref<80x128xi32, #tpu.memory_space<hbm>>
      %dma_wait3A_71 = arith.constant 0 : i32
      %dma_wait3A_72 = arith.constant 0 : i32
      %dma_wait3A_73 = tpu.memref_slice %arg4[%add3A, %dma_wait3A_71, %dma_wait3A_72] : memref<32x80x128xi32, #tpu.memory_space<hbm>> -> memref<1x80x128xi32, #tpu.memory_space<hbm>>
      %dma_wait3A_74 = tpu.memref_squeeze %dma_wait3A_73 : memref<1x80x128xi32, #tpu.memory_space<hbm>> -> memref<80x128xi32, #tpu.memory_space<hbm>>
      tpu.wait_dma2 semaphore(%run_scoped3A : memref<!tpu.dma_semaphore, #tpu.memory_space<semaphore_mem>>) src(%dma_wait3A_74 : memref<80x128xi32, #tpu.memory_space<hbm>>) dst(%arg8 : memref<80x128xi32, #tpu.memory_space<vmem>>)
      tpu.yield
    }) : () -> ()
    %barrier3A = arith.constant 0 : index
    tpu.barrier barrier_id(%barrier3A)
    %eq3A_9 = arith.constant 0 : i32
    "tpu.trace_stop"() : () -> ()
    %eq3A_10 = arith.cmpi eq, %arg0, %eq3A_9 : i32
    %select_n3A = arith.constant 80 : i32
    %select_n3A_11 = arith.constant 80 : i32
    %select_n3A_12 = arith.select %eq3A_10, %select_n3A_11, %select_n3A : i32
    %eq3A_13 = arith.constant 0 : i32
    %eq3A_14 = arith.cmpi eq, %arg0, %eq3A_13 : i32
    %select_n3A_15 = arith.constant 39 : i32
    %select_n3A_16 = arith.constant 39 : i32
    %select_n3A_17 = arith.select %eq3A_14, %select_n3A_16, %select_n3A_15 : i32
    %dma_start3A = arith.constant 0 : i32
    %dma_start3A_18 = arith.constant 0 : i32
    %dma_start3A_19 = tpu.memref_slice %arg7[%dma_start3A, %dma_start3A_18] : memref<80x128xi32, #tpu.memory_space<vmem>> -> memref<1x128xi32, #tpu.memory_space<vmem>>
    %dma_start3A_20 = tpu.memref_squeeze %dma_start3A_19 : memref<1x128xi32, #tpu.memory_space<vmem>> -> memref<128xi32, #tpu.memory_space<vmem>>
    %dma_start3A_21 = arith.constant 0 : i32
    %dma_start3A_22 = arith.constant 0 : i32
    %dma_start3A_23 = tpu.memref_slice %arg11[%dma_start3A_21, %dma_start3A_22] : memref<10000x64xf32, #tpu.memory_space<vmem_shared>> -> memref<10000x64xf32, #tpu.memory_space<vmem_shared>>
    tpu.enqueue_indirect_dma source(%dma_start3A_23 : memref<10000x64xf32, #tpu.memory_space<vmem_shared>>) target(%arg9 : memref<128x64xf32, #tpu.memory_space<vmem>>) offsets(%dma_start3A_20 : memref<128xi32, #tpu.memory_space<vmem>>) semaphore(%arg13 : memref<!tpu.dma_semaphore, #tpu.memory_space<semaphore_mem>>)
    %dma_start3A_24 = arith.constant 1 : i32
    %dma_start3A_25 = arith.constant 0 : i32
    %dma_start3A_26 = tpu.memref_slice %arg7[%dma_start3A_24, %dma_start3A_25] : memref<80x128xi32, #tpu.memory_space<vmem>> -> memref<1x128xi32, #tpu.memory_space<vmem>>
    %dma_start3A_27 = tpu.memref_squeeze %dma_start3A_26 : memref<1x128xi32, #tpu.memory_space<vmem>> -> memref<128xi32, #tpu.memory_space<vmem>>
    %dma_start3A_28 = arith.constant 0 : i32
    %dma_start3A_29 = arith.constant 0 : i32
    %dma_start3A_30 = tpu.memref_slice %arg11[%dma_start3A_28, %dma_start3A_29] : memref<10000x64xf32, #tpu.memory_space<vmem_shared>> -> memref<10000x64xf32, #tpu.memory_space<vmem_shared>>
    tpu.enqueue_indirect_dma source(%dma_start3A_30 : memref<10000x64xf32, #tpu.memory_space<vmem_shared>>) target(%arg10 : memref<128x64xf32, #tpu.memory_space<vmem>>) offsets(%dma_start3A_27 : memref<128xi32, #tpu.memory_space<vmem>>) semaphore(%arg14 : memref<!tpu.dma_semaphore, #tpu.memory_space<semaphore_mem>>)
    %while3A = arith.constant 0 : i32
    %while3A_31 = arith.constant 0 : i32
    "tpu.trace_start"() <{level = 10 : i32, message = "seg_edges"}> : () -> ()
    %while3A_32 = arith.subi %select_n3A_17, %while3A_31 : i32
    %while3A_33 = arith.addi %while3A_31, %while3A_32 : i32
    %while3A_34 = arith.constant 1 : i32
    %while3A_35 = arith.divsi %while3A_32, %while3A_34 : i32
    %while3A_36 = arith.muli %while3A_35, %while3A_34 : i32
    %while3A_37 = arith.addi %while3A_31, %while3A_36 : i32
    %while3A_38 = arith.constant 1 : i32
    scf.for %while3A_59 = %while3A_31 to %while3A_37 step %while3A_38  : i32 {
      %mul3A_60 = arith.constant 2 : i32
      %mul3A_61 = arith.muli %while3A_59, %mul3A_60 : i32
      %add3A_62 = arith.constant 0 : i32
      %add3A_63 = arith.addi %mul3A_61, %add3A_62 : i32
      %dma_wait3A_64 = arith.constant 0 : i32
      %dma_wait3A_65 = tpu.memref_slice %arg7[%add3A_63, %dma_wait3A_64] : memref<80x128xi32, #tpu.memory_space<vmem>> -> memref<1x128xi32, #tpu.memory_space<vmem>>
      %dma_wait3A_66 = tpu.memref_squeeze %dma_wait3A_65 : memref<1x128xi32, #tpu.memory_space<vmem>> -> memref<128xi32, #tpu.memory_space<vmem>>
      %dma_wait3A_67 = arith.constant 0 : i32
      %dma_wait3A_68 = arith.constant 0 : i32
      %dma_wait3A_69 = tpu.memref_slice %arg11[%dma_wait3A_67, %dma_wait3A_68] : memref<10000x64xf32, #tpu.memory_space<vmem_shared>> -> memref<10000x64xf32, #tpu.memory_space<vmem_shared>>
      tpu.wait_indirect_dma semaphore(%arg13 : memref<!tpu.dma_semaphore, #tpu.memory_space<semaphore_mem>>) src(%dma_wait3A_69 : memref<10000x64xf32, #tpu.memory_space<vmem_shared>>) dst(%arg9 : memref<128x64xf32, #tpu.memory_space<vmem>>)
      "tpu.region"() ({
        %run_scoped3A = tpu.sem_alloc : memref<!tpu.dma_semaphore, #tpu.memory_space<semaphore_mem>>
        %dma_start3A_96 = arith.constant 0 : i32
        %dma_start3A_97 = tpu.memref_slice %arg8[%add3A_63, %dma_start3A_96] : memref<80x128xi32, #tpu.memory_space<vmem>> -> memref<1x128xi32, #tpu.memory_space<vmem>>
        %dma_start3A_98 = tpu.memref_squeeze %dma_start3A_97 : memref<1x128xi32, #tpu.memory_space<vmem>> -> memref<128xi32, #tpu.memory_space<vmem>>
        %dma_start3A_99 = arith.constant 0 : i32
        %dma_start3A_100 = arith.constant 0 : i32
        %dma_start3A_101 = tpu.memref_slice %arg12[%dma_start3A_99, %dma_start3A_100] : memref<10112x64xf32, #tpu.memory_space<vmem_shared>> -> memref<10112x64xf32, #tpu.memory_space<vmem_shared>>
        tpu.enqueue_indirect_dma source(%arg9 : memref<128x64xf32, #tpu.memory_space<vmem>>) target(%dma_start3A_101 : memref<10112x64xf32, #tpu.memory_space<vmem_shared>>) offsets(%dma_start3A_98 : memref<128xi32, #tpu.memory_space<vmem>>) semaphore(%run_scoped3A : memref<!tpu.dma_semaphore, #tpu.memory_space<semaphore_mem>>) {add = true}
        %dma_wait3A_102 = arith.constant 0 : i32
        %dma_wait3A_103 = tpu.memref_slice %arg8[%add3A_63, %dma_wait3A_102] : memref<80x128xi32, #tpu.memory_space<vmem>> -> memref<1x128xi32, #tpu.memory_space<vmem>>
        %dma_wait3A_104 = tpu.memref_squeeze %dma_wait3A_103 : memref<1x128xi32, #tpu.memory_space<vmem>> -> memref<128xi32, #tpu.memory_space<vmem>>
        %dma_wait3A_105 = arith.constant 0 : i32
        %dma_wait3A_106 = arith.constant 0 : i32
        %dma_wait3A_107 = tpu.memref_slice %arg12[%dma_wait3A_105, %dma_wait3A_106] : memref<10112x64xf32, #tpu.memory_space<vmem_shared>> -> memref<10112x64xf32, #tpu.memory_space<vmem_shared>>
        tpu.wait_indirect_dma semaphore(%run_scoped3A : memref<!tpu.dma_semaphore, #tpu.memory_space<semaphore_mem>>) src(%arg9 : memref<128x64xf32, #tpu.memory_space<vmem>>) dst(%dma_wait3A_107 : memref<10112x64xf32, #tpu.memory_space<vmem_shared>>)
        tpu.yield
      }) : () -> ()
      %add3A_70 = arith.constant 2 : i32
      %add3A_71 = arith.addi %add3A_63, %add3A_70 : i32
      %dma_start3A_72 = arith.constant 0 : i32
      %dma_start3A_73 = tpu.memref_slice %arg7[%add3A_71, %dma_start3A_72] : memref<80x128xi32, #tpu.memory_space<vmem>> -> memref<1x128xi32, #tpu.memory_space<vmem>>
      %dma_start3A_74 = tpu.memref_squeeze %dma_start3A_73 : memref<1x128xi32, #tpu.memory_space<vmem>> -> memref<128xi32, #tpu.memory_space<vmem>>
      %dma_start3A_75 = arith.constant 0 : i32
      %dma_start3A_76 = arith.constant 0 : i32
      %dma_start3A_77 = tpu.memref_slice %arg11[%dma_start3A_75, %dma_start3A_76] : memref<10000x64xf32, #tpu.memory_space<vmem_shared>> -> memref<10000x64xf32, #tpu.memory_space<vmem_shared>>
      tpu.enqueue_indirect_dma source(%dma_start3A_77 : memref<10000x64xf32, #tpu.memory_space<vmem_shared>>) target(%arg9 : memref<128x64xf32, #tpu.memory_space<vmem>>) offsets(%dma_start3A_74 : memref<128xi32, #tpu.memory_space<vmem>>) semaphore(%arg13 : memref<!tpu.dma_semaphore, #tpu.memory_space<semaphore_mem>>)
      %mul3A_78 = arith.constant 2 : i32
      %mul3A_79 = arith.muli %while3A_59, %mul3A_78 : i32
      %add3A_80 = arith.constant 1 : i32
      %add3A_81 = arith.addi %mul3A_79, %add3A_80 : i32
      %dma_wait3A_82 = arith.constant 0 : i32
      %dma_wait3A_83 = tpu.memref_slice %arg7[%add3A_81, %dma_wait3A_82] : memref<80x128xi32, #tpu.memory_space<vmem>> -> memref<1x128xi32, #tpu.memory_space<vmem>>
      %dma_wait3A_84 = tpu.memref_squeeze %dma_wait3A_83 : memref<1x128xi32, #tpu.memory_space<vmem>> -> memref<128xi32, #tpu.memory_space<vmem>>
      %dma_wait3A_85 = arith.constant 0 : i32
      %dma_wait3A_86 = arith.constant 0 : i32
      %dma_wait3A_87 = tpu.memref_slice %arg11[%dma_wait3A_85, %dma_wait3A_86] : memref<10000x64xf32, #tpu.memory_space<vmem_shared>> -> memref<10000x64xf32, #tpu.memory_space<vmem_shared>>
      tpu.wait_indirect_dma semaphore(%arg14 : memref<!tpu.dma_semaphore, #tpu.memory_space<semaphore_mem>>) src(%dma_wait3A_87 : memref<10000x64xf32, #tpu.memory_space<vmem_shared>>) dst(%arg10 : memref<128x64xf32, #tpu.memory_space<vmem>>)
      "tpu.region"() ({
        %run_scoped3A = tpu.sem_alloc : memref<!tpu.dma_semaphore, #tpu.memory_space<semaphore_mem>>
        %dma_start3A_96 = arith.constant 0 : i32
        %dma_start3A_97 = tpu.memref_slice %arg8[%add3A_81, %dma_start3A_96] : memref<80x128xi32, #tpu.memory_space<vmem>> -> memref<1x128xi32, #tpu.memory_space<vmem>>
        %dma_start3A_98 = tpu.memref_squeeze %dma_start3A_97 : memref<1x128xi32, #tpu.memory_space<vmem>> -> memref<128xi32, #tpu.memory_space<vmem>>
        %dma_start3A_99 = arith.constant 0 : i32
        %dma_start3A_100 = arith.constant 0 : i32
        %dma_start3A_101 = tpu.memref_slice %arg12[%dma_start3A_99, %dma_start3A_100] : memref<10112x64xf32, #tpu.memory_space<vmem_shared>> -> memref<10112x64xf32, #tpu.memory_space<vmem_shared>>
        tpu.enqueue_indirect_dma source(%arg10 : memref<128x64xf32, #tpu.memory_space<vmem>>) target(%dma_start3A_101 : memref<10112x64xf32, #tpu.memory_space<vmem_shared>>) offsets(%dma_start3A_98 : memref<128xi32, #tpu.memory_space<vmem>>) semaphore(%run_scoped3A : memref<!tpu.dma_semaphore, #tpu.memory_space<semaphore_mem>>) {add = true}
        %dma_wait3A_102 = arith.constant 0 : i32
        %dma_wait3A_103 = tpu.memref_slice %arg8[%add3A_81, %dma_wait3A_102] : memref<80x128xi32, #tpu.memory_space<vmem>> -> memref<1x128xi32, #tpu.memory_space<vmem>>
        %dma_wait3A_104 = tpu.memref_squeeze %dma_wait3A_103 : memref<1x128xi32, #tpu.memory_space<vmem>> -> memref<128xi32, #tpu.memory_space<vmem>>
        %dma_wait3A_105 = arith.constant 0 : i32
        %dma_wait3A_106 = arith.constant 0 : i32
        %dma_wait3A_107 = tpu.memref_slice %arg12[%dma_wait3A_105, %dma_wait3A_106] : memref<10112x64xf32, #tpu.memory_space<vmem_shared>> -> memref<10112x64xf32, #tpu.memory_space<vmem_shared>>
        tpu.wait_indirect_dma semaphore(%run_scoped3A : memref<!tpu.dma_semaphore, #tpu.memory_space<semaphore_mem>>) src(%arg10 : memref<128x64xf32, #tpu.memory_space<vmem>>) dst(%dma_wait3A_107 : memref<10112x64xf32, #tpu.memory_space<vmem_shared>>)
        tpu.yield
      }) : () -> ()
      %add3A_88 = arith.constant 2 : i32
      %add3A_89 = arith.addi %add3A_81, %add3A_88 : i32
      %dma_start3A_90 = arith.constant 0 : i32
      %dma_start3A_91 = tpu.memref_slice %arg7[%add3A_89, %dma_start3A_90] : memref<80x128xi32, #tpu.memory_space<vmem>> -> memref<1x128xi32, #tpu.memory_space<vmem>>
      %dma_start3A_92 = tpu.memref_squeeze %dma_start3A_91 : memref<1x128xi32, #tpu.memory_space<vmem>> -> memref<128xi32, #tpu.memory_space<vmem>>
      %dma_start3A_93 = arith.constant 0 : i32
      %dma_start3A_94 = arith.constant 0 : i32
      %dma_start3A_95 = tpu.memref_slice %arg11[%dma_start3A_93, %dma_start3A_94] : memref<10000x64xf32, #tpu.memory_space<vmem_shared>> -> memref<10000x64xf32, #tpu.memory_space<vmem_shared>>
      tpu.enqueue_indirect_dma source(%dma_start3A_95 : memref<10000x64xf32, #tpu.memory_space<vmem_shared>>) target(%arg10 : memref<128x64xf32, #tpu.memory_space<vmem>>) offsets(%dma_start3A_92 : memref<128xi32, #tpu.memory_space<vmem>>) semaphore(%arg14 : memref<!tpu.dma_semaphore, #tpu.memory_space<semaphore_mem>>)
    }
    %while3A_39 = arith.constant 1 : i32
    scf.for %while3A_59 = %while3A_37 to %while3A_33 step %while3A_39  : i32 {
      %mul3A_60 = arith.constant 2 : i32
      %mul3A_61 = arith.muli %while3A_59, %mul3A_60 : i32
      %add3A_62 = arith.constant 0 : i32
      %add3A_63 = arith.addi %mul3A_61, %add3A_62 : i32
      %dma_wait3A_64 = arith.constant 0 : i32
      %dma_wait3A_65 = tpu.memref_slice %arg7[%add3A_63, %dma_wait3A_64] : memref<80x128xi32, #tpu.memory_space<vmem>> -> memref<1x128xi32, #tpu.memory_space<vmem>>
      %dma_wait3A_66 = tpu.memref_squeeze %dma_wait3A_65 : memref<1x128xi32, #tpu.memory_space<vmem>> -> memref<128xi32, #tpu.memory_space<vmem>>
      %dma_wait3A_67 = arith.constant 0 : i32
      %dma_wait3A_68 = arith.constant 0 : i32
      %dma_wait3A_69 = tpu.memref_slice %arg11[%dma_wait3A_67, %dma_wait3A_68] : memref<10000x64xf32, #tpu.memory_space<vmem_shared>> -> memref<10000x64xf32, #tpu.memory_space<vmem_shared>>
      tpu.wait_indirect_dma semaphore(%arg13 : memref<!tpu.dma_semaphore, #tpu.memory_space<semaphore_mem>>) src(%dma_wait3A_69 : memref<10000x64xf32, #tpu.memory_space<vmem_shared>>) dst(%arg9 : memref<128x64xf32, #tpu.memory_space<vmem>>)
      "tpu.region"() ({
        %run_scoped3A = tpu.sem_alloc : memref<!tpu.dma_semaphore, #tpu.memory_space<semaphore_mem>>
        %dma_start3A_96 = arith.constant 0 : i32
        %dma_start3A_97 = tpu.memref_slice %arg8[%add3A_63, %dma_start3A_96] : memref<80x128xi32, #tpu.memory_space<vmem>> -> memref<1x128xi32, #tpu.memory_space<vmem>>
        %dma_start3A_98 = tpu.memref_squeeze %dma_start3A_97 : memref<1x128xi32, #tpu.memory_space<vmem>> -> memref<128xi32, #tpu.memory_space<vmem>>
        %dma_start3A_99 = arith.constant 0 : i32
        %dma_start3A_100 = arith.constant 0 : i32
        %dma_start3A_101 = tpu.memref_slice %arg12[%dma_start3A_99, %dma_start3A_100] : memref<10112x64xf32, #tpu.memory_space<vmem_shared>> -> memref<10112x64xf32, #tpu.memory_space<vmem_shared>>
        tpu.enqueue_indirect_dma source(%arg9 : memref<128x64xf32, #tpu.memory_space<vmem>>) target(%dma_start3A_101 : memref<10112x64xf32, #tpu.memory_space<vmem_shared>>) offsets(%dma_start3A_98 : memref<128xi32, #tpu.memory_space<vmem>>) semaphore(%run_scoped3A : memref<!tpu.dma_semaphore, #tpu.memory_space<semaphore_mem>>) {add = true}
        %dma_wait3A_102 = arith.constant 0 : i32
        %dma_wait3A_103 = tpu.memref_slice %arg8[%add3A_63, %dma_wait3A_102] : memref<80x128xi32, #tpu.memory_space<vmem>> -> memref<1x128xi32, #tpu.memory_space<vmem>>
        %dma_wait3A_104 = tpu.memref_squeeze %dma_wait3A_103 : memref<1x128xi32, #tpu.memory_space<vmem>> -> memref<128xi32, #tpu.memory_space<vmem>>
        %dma_wait3A_105 = arith.constant 0 : i32
        %dma_wait3A_106 = arith.constant 0 : i32
        %dma_wait3A_107 = tpu.memref_slice %arg12[%dma_wait3A_105, %dma_wait3A_106] : memref<10112x64xf32, #tpu.memory_space<vmem_shared>> -> memref<10112x64xf32, #tpu.memory_space<vmem_shared>>
        tpu.wait_indirect_dma semaphore(%run_scoped3A : memref<!tpu.dma_semaphore, #tpu.memory_space<semaphore_mem>>) src(%arg9 : memref<128x64xf32, #tpu.memory_space<vmem>>) dst(%dma_wait3A_107 : memref<10112x64xf32, #tpu.memory_space<vmem_shared>>)
        tpu.yield
      }) : () -> ()
      %add3A_70 = arith.constant 2 : i32
      %add3A_71 = arith.addi %add3A_63, %add3A_70 : i32
      %dma_start3A_72 = arith.constant 0 : i32
      %dma_start3A_73 = tpu.memref_slice %arg7[%add3A_71, %dma_start3A_72] : memref<80x128xi32, #tpu.memory_space<vmem>> -> memref<1x128xi32, #tpu.memory_space<vmem>>
      %dma_start3A_74 = tpu.memref_squeeze %dma_start3A_73 : memref<1x128xi32, #tpu.memory_space<vmem>> -> memref<128xi32, #tpu.memory_space<vmem>>
      %dma_start3A_75 = arith.constant 0 : i32
      %dma_start3A_76 = arith.constant 0 : i32
      %dma_start3A_77 = tpu.memref_slice %arg11[%dma_start3A_75, %dma_start3A_76] : memref<10000x64xf32, #tpu.memory_space<vmem_shared>> -> memref<10000x64xf32, #tpu.memory_space<vmem_shared>>
      tpu.enqueue_indirect_dma source(%dma_start3A_77 : memref<10000x64xf32, #tpu.memory_space<vmem_shared>>) target(%arg9 : memref<128x64xf32, #tpu.memory_space<vmem>>) offsets(%dma_start3A_74 : memref<128xi32, #tpu.memory_space<vmem>>) semaphore(%arg13 : memref<!tpu.dma_semaphore, #tpu.memory_space<semaphore_mem>>)
      %mul3A_78 = arith.constant 2 : i32
      %mul3A_79 = arith.muli %while3A_59, %mul3A_78 : i32
      %add3A_80 = arith.constant 1 : i32
      %add3A_81 = arith.addi %mul3A_79, %add3A_80 : i32
      %dma_wait3A_82 = arith.constant 0 : i32
      %dma_wait3A_83 = tpu.memref_slice %arg7[%add3A_81, %dma_wait3A_82] : memref<80x128xi32, #tpu.memory_space<vmem>> -> memref<1x128xi32, #tpu.memory_space<vmem>>
      %dma_wait3A_84 = tpu.memref_squeeze %dma_wait3A_83 : memref<1x128xi32, #tpu.memory_space<vmem>> -> memref<128xi32, #tpu.memory_space<vmem>>
      %dma_wait3A_85 = arith.constant 0 : i32
      %dma_wait3A_86 = arith.constant 0 : i32
      %dma_wait3A_87 = tpu.memref_slice %arg11[%dma_wait3A_85, %dma_wait3A_86] : memref<10000x64xf32, #tpu.memory_space<vmem_shared>> -> memref<10000x64xf32, #tpu.memory_space<vmem_shared>>
      tpu.wait_indirect_dma semaphore(%arg14 : memref<!tpu.dma_semaphore, #tpu.memory_space<semaphore_mem>>) src(%dma_wait3A_87 : memref<10000x64xf32, #tpu.memory_space<vmem_shared>>) dst(%arg10 : memref<128x64xf32, #tpu.memory_space<vmem>>)
      "tpu.region"() ({
        %run_scoped3A = tpu.sem_alloc : memref<!tpu.dma_semaphore, #tpu.memory_space<semaphore_mem>>
        %dma_start3A_96 = arith.constant 0 : i32
        %dma_start3A_97 = tpu.memref_slice %arg8[%add3A_81, %dma_start3A_96] : memref<80x128xi32, #tpu.memory_space<vmem>> -> memref<1x128xi32, #tpu.memory_space<vmem>>
        %dma_start3A_98 = tpu.memref_squeeze %dma_start3A_97 : memref<1x128xi32, #tpu.memory_space<vmem>> -> memref<128xi32, #tpu.memory_space<vmem>>
        %dma_start3A_99 = arith.constant 0 : i32
        %dma_start3A_100 = arith.constant 0 : i32
        %dma_start3A_101 = tpu.memref_slice %arg12[%dma_start3A_99, %dma_start3A_100] : memref<10112x64xf32, #tpu.memory_space<vmem_shared>> -> memref<10112x64xf32, #tpu.memory_space<vmem_shared>>
        tpu.enqueue_indirect_dma source(%arg10 : memref<128x64xf32, #tpu.memory_space<vmem>>) target(%dma_start3A_101 : memref<10112x64xf32, #tpu.memory_space<vmem_shared>>) offsets(%dma_start3A_98 : memref<128xi32, #tpu.memory_space<vmem>>) semaphore(%run_scoped3A : memref<!tpu.dma_semaphore, #tpu.memory_space<semaphore_mem>>) {add = true}
        %dma_wait3A_102 = arith.constant 0 : i32
        %dma_wait3A_103 = tpu.memref_slice %arg8[%add3A_81, %dma_wait3A_102] : memref<80x128xi32, #tpu.memory_space<vmem>> -> memref<1x128xi32, #tpu.memory_space<vmem>>
        %dma_wait3A_104 = tpu.memref_squeeze %dma_wait3A_103 : memref<1x128xi32, #tpu.memory_space<vmem>> -> memref<128xi32, #tpu.memory_space<vmem>>
        %dma_wait3A_105 = arith.constant 0 : i32
        %dma_wait3A_106 = arith.constant 0 : i32
        %dma_wait3A_107 = tpu.memref_slice %arg12[%dma_wait3A_105, %dma_wait3A_106] : memref<10112x64xf32, #tpu.memory_space<vmem_shared>> -> memref<10112x64xf32, #tpu.memory_space<vmem_shared>>
        tpu.wait_indirect_dma semaphore(%run_scoped3A : memref<!tpu.dma_semaphore, #tpu.memory_space<semaphore_mem>>) src(%arg10 : memref<128x64xf32, #tpu.memory_space<vmem>>) dst(%dma_wait3A_107 : memref<10112x64xf32, #tpu.memory_space<vmem_shared>>)
        tpu.yield
      }) : () -> ()
      %add3A_88 = arith.constant 2 : i32
      %add3A_89 = arith.addi %add3A_81, %add3A_88 : i32
      %dma_start3A_90 = arith.constant 0 : i32
      %dma_start3A_91 = tpu.memref_slice %arg7[%add3A_89, %dma_start3A_90] : memref<80x128xi32, #tpu.memory_space<vmem>> -> memref<1x128xi32, #tpu.memory_space<vmem>>
      %dma_start3A_92 = tpu.memref_squeeze %dma_start3A_91 : memref<1x128xi32, #tpu.memory_space<vmem>> -> memref<128xi32, #tpu.memory_space<vmem>>
      %dma_start3A_93 = arith.constant 0 : i32
      %dma_start3A_94 = arith.constant 0 : i32
      %dma_start3A_95 = tpu.memref_slice %arg11[%dma_start3A_93, %dma_start3A_94] : memref<10000x64xf32, #tpu.memory_space<vmem_shared>> -> memref<10000x64xf32, #tpu.memory_space<vmem_shared>>
      tpu.enqueue_indirect_dma source(%dma_start3A_95 : memref<10000x64xf32, #tpu.memory_space<vmem_shared>>) target(%arg10 : memref<128x64xf32, #tpu.memory_space<vmem>>) offsets(%dma_start3A_92 : memref<128xi32, #tpu.memory_space<vmem>>) semaphore(%arg14 : memref<!tpu.dma_semaphore, #tpu.memory_space<semaphore_mem>>)
    }
    %sub3A = arith.constant 2 : i32
    %sub3A_40 = arith.subi %select_n3A_12, %sub3A : i32
    %add3A_41 = arith.constant 0 : i32
    %add3A_42 = arith.addi %sub3A_40, %add3A_41 : i32
    %dma_wait3A = arith.constant 0 : i32
    %dma_wait3A_43 = tpu.memref_slice %arg7[%add3A_42, %dma_wait3A] : memref<80x128xi32, #tpu.memory_space<vmem>> -> memref<1x128xi32, #tpu.memory_space<vmem>>
    %dma_wait3A_44 = tpu.memref_squeeze %dma_wait3A_43 : memref<1x128xi32, #tpu.memory_space<vmem>> -> memref<128xi32, #tpu.memory_space<vmem>>
    %dma_wait3A_45 = arith.constant 0 : i32
    %dma_wait3A_46 = arith.constant 0 : i32
    %dma_wait3A_47 = tpu.memref_slice %arg11[%dma_wait3A_45, %dma_wait3A_46] : memref<10000x64xf32, #tpu.memory_space<vmem_shared>> -> memref<10000x64xf32, #tpu.memory_space<vmem_shared>>
    tpu.wait_indirect_dma semaphore(%arg13 : memref<!tpu.dma_semaphore, #tpu.memory_space<semaphore_mem>>) src(%dma_wait3A_47 : memref<10000x64xf32, #tpu.memory_space<vmem_shared>>) dst(%arg9 : memref<128x64xf32, #tpu.memory_space<vmem>>)
    "tpu.region"() ({
      %run_scoped3A = tpu.sem_alloc : memref<!tpu.dma_semaphore, #tpu.memory_space<semaphore_mem>>
      %dma_start3A_59 = arith.constant 0 : i32
      %dma_start3A_60 = tpu.memref_slice %arg8[%add3A_42, %dma_start3A_59] : memref<80x128xi32, #tpu.memory_space<vmem>> -> memref<1x128xi32, #tpu.memory_space<vmem>>
      %dma_start3A_61 = tpu.memref_squeeze %dma_start3A_60 : memref<1x128xi32, #tpu.memory_space<vmem>> -> memref<128xi32, #tpu.memory_space<vmem>>
      %dma_start3A_62 = arith.constant 0 : i32
      %dma_start3A_63 = arith.constant 0 : i32
      %dma_start3A_64 = tpu.memref_slice %arg12[%dma_start3A_62, %dma_start3A_63] : memref<10112x64xf32, #tpu.memory_space<vmem_shared>> -> memref<10112x64xf32, #tpu.memory_space<vmem_shared>>
      tpu.enqueue_indirect_dma source(%arg9 : memref<128x64xf32, #tpu.memory_space<vmem>>) target(%dma_start3A_64 : memref<10112x64xf32, #tpu.memory_space<vmem_shared>>) offsets(%dma_start3A_61 : memref<128xi32, #tpu.memory_space<vmem>>) semaphore(%run_scoped3A : memref<!tpu.dma_semaphore, #tpu.memory_space<semaphore_mem>>) {add = true}
      %dma_wait3A_65 = arith.constant 0 : i32
      %dma_wait3A_66 = tpu.memref_slice %arg8[%add3A_42, %dma_wait3A_65] : memref<80x128xi32, #tpu.memory_space<vmem>> -> memref<1x128xi32, #tpu.memory_space<vmem>>
      %dma_wait3A_67 = tpu.memref_squeeze %dma_wait3A_66 : memref<1x128xi32, #tpu.memory_space<vmem>> -> memref<128xi32, #tpu.memory_space<vmem>>
      %dma_wait3A_68 = arith.constant 0 : i32
      %dma_wait3A_69 = arith.constant 0 : i32
      %dma_wait3A_70 = tpu.memref_slice %arg12[%dma_wait3A_68, %dma_wait3A_69] : memref<10112x64xf32, #tpu.memory_space<vmem_shared>> -> memref<10112x64xf32, #tpu.memory_space<vmem_shared>>
      tpu.wait_indirect_dma semaphore(%run_scoped3A : memref<!tpu.dma_semaphore, #tpu.memory_space<semaphore_mem>>) src(%arg9 : memref<128x64xf32, #tpu.memory_space<vmem>>) dst(%dma_wait3A_70 : memref<10112x64xf32, #tpu.memory_space<vmem_shared>>)
      tpu.yield
    }) : () -> ()
    %sub3A_48 = arith.constant 2 : i32
    %sub3A_49 = arith.subi %select_n3A_12, %sub3A_48 : i32
    %add3A_50 = arith.constant 1 : i32
    %add3A_51 = arith.addi %sub3A_49, %add3A_50 : i32
    %dma_wait3A_52 = arith.constant 0 : i32
    %dma_wait3A_53 = tpu.memref_slice %arg7[%add3A_51, %dma_wait3A_52] : memref<80x128xi32, #tpu.memory_space<vmem>> -> memref<1x128xi32, #tpu.memory_space<vmem>>
    %dma_wait3A_54 = tpu.memref_squeeze %dma_wait3A_53 : memref<1x128xi32, #tpu.memory_space<vmem>> -> memref<128xi32, #tpu.memory_space<vmem>>
    %dma_wait3A_55 = arith.constant 0 : i32
    %dma_wait3A_56 = arith.constant 0 : i32
    %dma_wait3A_57 = tpu.memref_slice %arg11[%dma_wait3A_55, %dma_wait3A_56] : memref<10000x64xf32, #tpu.memory_space<vmem_shared>> -> memref<10000x64xf32, #tpu.memory_space<vmem_shared>>
    tpu.wait_indirect_dma semaphore(%arg14 : memref<!tpu.dma_semaphore, #tpu.memory_space<semaphore_mem>>) src(%dma_wait3A_57 : memref<10000x64xf32, #tpu.memory_space<vmem_shared>>) dst(%arg10 : memref<128x64xf32, #tpu.memory_space<vmem>>)
    "tpu.region"() ({
      %run_scoped3A = tpu.sem_alloc : memref<!tpu.dma_semaphore, #tpu.memory_space<semaphore_mem>>
      %dma_start3A_59 = arith.constant 0 : i32
      %dma_start3A_60 = tpu.memref_slice %arg8[%add3A_51, %dma_start3A_59] : memref<80x128xi32, #tpu.memory_space<vmem>> -> memref<1x128xi32, #tpu.memory_space<vmem>>
      %dma_start3A_61 = tpu.memref_squeeze %dma_start3A_60 : memref<1x128xi32, #tpu.memory_space<vmem>> -> memref<128xi32, #tpu.memory_space<vmem>>
      %dma_start3A_62 = arith.constant 0 : i32
      %dma_start3A_63 = arith.constant 0 : i32
      %dma_start3A_64 = tpu.memref_slice %arg12[%dma_start3A_62, %dma_start3A_63] : memref<10112x64xf32, #tpu.memory_space<vmem_shared>> -> memref<10112x64xf32, #tpu.memory_space<vmem_shared>>
      tpu.enqueue_indirect_dma source(%arg10 : memref<128x64xf32, #tpu.memory_space<vmem>>) target(%dma_start3A_64 : memref<10112x64xf32, #tpu.memory_space<vmem_shared>>) offsets(%dma_start3A_61 : memref<128xi32, #tpu.memory_space<vmem>>) semaphore(%run_scoped3A : memref<!tpu.dma_semaphore, #tpu.memory_space<semaphore_mem>>) {add = true}
      %dma_wait3A_65 = arith.constant 0 : i32
      %dma_wait3A_66 = tpu.memref_slice %arg8[%add3A_51, %dma_wait3A_65] : memref<80x128xi32, #tpu.memory_space<vmem>> -> memref<1x128xi32, #tpu.memory_space<vmem>>
      %dma_wait3A_67 = tpu.memref_squeeze %dma_wait3A_66 : memref<1x128xi32, #tpu.memory_space<vmem>> -> memref<128xi32, #tpu.memory_space<vmem>>
      %dma_wait3A_68 = arith.constant 0 : i32
      %dma_wait3A_69 = arith.constant 0 : i32
      %dma_wait3A_70 = tpu.memref_slice %arg12[%dma_wait3A_68, %dma_wait3A_69] : memref<10112x64xf32, #tpu.memory_space<vmem_shared>> -> memref<10112x64xf32, #tpu.memory_space<vmem_shared>>
      tpu.wait_indirect_dma semaphore(%run_scoped3A : memref<!tpu.dma_semaphore, #tpu.memory_space<semaphore_mem>>) src(%arg10 : memref<128x64xf32, #tpu.memory_space<vmem>>) dst(%dma_wait3A_70 : memref<10112x64xf32, #tpu.memory_space<vmem_shared>>)
      tpu.yield
    }) : () -> ()
    %barrier3A_58 = arith.constant 0 : index
    tpu.barrier barrier_id(%barrier3A_58)
    "tpu.trace_stop"() : () -> ()
    "tpu.trace_start"() <{level = 10 : i32, message = "seg_out"}> : () -> ()
    "tpu.region"() ({
      %run_scoped3A = tpu.sem_alloc : memref<!tpu.dma_semaphore, #tpu.memory_space<semaphore_mem>>
      %dma_start3A_59 = arith.constant 0 : i32
      %dma_start3A_60 = tpu.memref_slice %arg6[%arg0, %mul3A_2, %dma_start3A_59] : memref<2x10112x64xf32, #tpu.memory_space<hbm>> -> memref<1x632x64xf32, #tpu.memory_space<hbm>>
      %dma_start3A_61 = tpu.memref_squeeze %dma_start3A_60 : memref<1x632x64xf32, #tpu.memory_space<hbm>> -> memref<632x64xf32, #tpu.memory_space<hbm>>
      %dma_start3A_62 = arith.constant 0 : i32
      %dma_start3A_63 = tpu.memref_slice %arg12[%mul3A_2, %dma_start3A_62] : memref<10112x64xf32, #tpu.memory_space<vmem_shared>> -> memref<632x64xf32, #tpu.memory_space<vmem_shared>>
      tpu.enqueue_dma source(%dma_start3A_63 : memref<632x64xf32, #tpu.memory_space<vmem_shared>>) target(%dma_start3A_61 : memref<632x64xf32, #tpu.memory_space<hbm>>) target_semaphore(%run_scoped3A : memref<!tpu.dma_semaphore, #tpu.memory_space<semaphore_mem>>)
      %dma_wait3A_64 = arith.constant 0 : i32
      %dma_wait3A_65 = tpu.memref_slice %arg6[%arg0, %mul3A_2, %dma_wait3A_64] : memref<2x10112x64xf32, #tpu.memory_space<hbm>> -> memref<1x632x64xf32, #tpu.memory_space<hbm>>
      %dma_wait3A_66 = tpu.memref_squeeze %dma_wait3A_65 : memref<1x632x64xf32, #tpu.memory_space<hbm>> -> memref<632x64xf32, #tpu.memory_space<hbm>>
      %dma_wait3A_67 = arith.constant 0 : i32
      %dma_wait3A_68 = tpu.memref_slice %arg12[%mul3A_2, %dma_wait3A_67] : memref<10112x64xf32, #tpu.memory_space<vmem_shared>> -> memref<632x64xf32, #tpu.memory_space<vmem_shared>>
      tpu.wait_dma2 semaphore(%run_scoped3A : memref<!tpu.dma_semaphore, #tpu.memory_space<semaphore_mem>>) src(%dma_wait3A_68 : memref<632x64xf32, #tpu.memory_space<vmem_shared>>) dst(%dma_wait3A_66 : memref<632x64xf32, #tpu.memory_space<hbm>>)
      tpu.yield
    }) : () -> ()
    "tpu.trace_stop"() : () -> ()
    return
  }
}

#map = affine_map<(d0, d1) -> (0, 0)>
#map1 = affine_map<(d0, d1) -> (0, 0, 0)>
module attributes {stable_mosaic.version = 14 : i64} {
  func.func @_sc_segment_sum(%arg0: i32, %arg1: i32, %arg2: memref<10000x64xf32, #tpu.memory_space<hbm>>, %arg3: memref<32x80x128xi32, #tpu.memory_space<hbm>>, %arg4: memref<32x80x128xi32, #tpu.memory_space<hbm>>, %arg5: memref<10112x64xf32, #tpu.memory_space<hbm>>, %arg6: memref<2x10112x64xf32, #tpu.memory_space<hbm>>, %arg7: memref<80x128xi32, #tpu.memory_space<vmem>>, %arg8: memref<80x128xi32, #tpu.memory_space<vmem>>, %arg9: memref<128x64xf32, #tpu.memory_space<vmem>>, %arg10: memref<128x64xf32, #tpu.memory_space<vmem>>, %arg11: memref<10000x64xf32, #tpu.memory_space<vmem_shared>>, %arg12: memref<10112x64xf32, #tpu.memory_space<vmem_shared>>, %arg13: memref<!tpu.dma_semaphore, #tpu.memory_space<semaphore_mem>>, %arg14: memref<!tpu.dma_semaphore, #tpu.memory_space<semaphore_mem>>) attributes {dimension_semantics = [#tpu.dimension_semantics<core_parallel>, #tpu.dimension_semantics<subcore_parallel>], iteration_bounds = array<i64: 2, 16>, scalar_prefetch = 0 : i64, scratch_operands = 8 : i64, tpu.core_type = #tpu.core_type<sc_vector_subcore>, window_params = [{transform_indices = #map}, {transform_indices = #map1}, {transform_indices = #map1}, {transform_indices = #map}, {transform_indices = #map1}]} {
    %mul3A = arith.constant 16 : i32
    %mul3A_0 = arith.muli %arg0, %mul3A : i32
    %add3A = arith.addi %mul3A_0, %arg1 : i32
    %mul3A_1 = arith.constant 632 : i32
    %mul3A_2 = arith.muli %arg1, %mul3A_1 : i32
    "tpu.trace_start"() <{level = 10 : i32, message = "seg_init"}> : () -> ()
    "tpu.region"() ({
      %run_scoped3A = tpu.sem_alloc : memref<!tpu.dma_semaphore, #tpu.memory_space<semaphore_mem>>
      %dma_start3A_59 = arith.constant 0 : i32
      %dma_start3A_60 = tpu.memref_slice %arg12[%mul3A_2, %dma_start3A_59] : memref<10112x64xf32, #tpu.memory_space<vmem_shared>> -> memref<632x64xf32, #tpu.memory_space<vmem_shared>>
      %dma_start3A_61 = arith.constant 0 : i32
      %dma_start3A_62 = tpu.memref_slice %arg5[%mul3A_2, %dma_start3A_61] : memref<10112x64xf32, #tpu.memory_space<hbm>> -> memref<632x64xf32, #tpu.memory_space<hbm>>
      tpu.enqueue_dma source(%dma_start3A_62 : memref<632x64xf32, #tpu.memory_space<hbm>>) target(%dma_start3A_60 : memref<632x64xf32, #tpu.memory_space<vmem_shared>>) target_semaphore(%run_scoped3A : memref<!tpu.dma_semaphore, #tpu.memory_space<semaphore_mem>>)
      %dma_wait3A_63 = arith.constant 0 : i32
      %dma_wait3A_64 = tpu.memref_slice %arg12[%mul3A_2, %dma_wait3A_63] : memref<10112x64xf32, #tpu.memory_space<vmem_shared>> -> memref<632x64xf32, #tpu.memory_space<vmem_shared>>
      %dma_wait3A_65 = arith.constant 0 : i32
      %dma_wait3A_66 = tpu.memref_slice %arg5[%mul3A_2, %dma_wait3A_65] : memref<10112x64xf32, #tpu.memory_space<hbm>> -> memref<632x64xf32, #tpu.memory_space<hbm>>
      tpu.wait_dma2 semaphore(%run_scoped3A : memref<!tpu.dma_semaphore, #tpu.memory_space<semaphore_mem>>) src(%dma_wait3A_66 : memref<632x64xf32, #tpu.memory_space<hbm>>) dst(%dma_wait3A_64 : memref<632x64xf32, #tpu.memory_space<vmem_shared>>)
      tpu.yield
    }) : () -> ()
    %lt3A = arith.constant 15 : i32
    %lt3A_3 = arith.cmpi slt, %arg1, %lt3A : i32
    %convert_element_type3A = arith.extui %lt3A_3 : i1 to i32
    %cond3A = arith.constant 0 : i32
    %cond3A_4 = arith.cmpi ne, %convert_element_type3A, %cond3A : i32
    scf.if %cond3A_4 {
      "tpu.region"() ({
        %run_scoped3A = tpu.sem_alloc : memref<!tpu.dma_semaphore, #tpu.memory_space<semaphore_mem>>
        %dma_start3A_59 = arith.constant 0 : i32
        %dma_start3A_60 = tpu.memref_slice %arg11[%mul3A_2, %dma_start3A_59] : memref<10000x64xf32, #tpu.memory_space<vmem_shared>> -> memref<632x64xf32, #tpu.memory_space<vmem_shared>>
        %dma_start3A_61 = arith.constant 0 : i32
        %dma_start3A_62 = tpu.memref_slice %arg2[%mul3A_2, %dma_start3A_61] : memref<10000x64xf32, #tpu.memory_space<hbm>> -> memref<632x64xf32, #tpu.memory_space<hbm>>
        tpu.enqueue_dma source(%dma_start3A_62 : memref<632x64xf32, #tpu.memory_space<hbm>>) target(%dma_start3A_60 : memref<632x64xf32, #tpu.memory_space<vmem_shared>>) target_semaphore(%run_scoped3A : memref<!tpu.dma_semaphore, #tpu.memory_space<semaphore_mem>>)
        %dma_wait3A_63 = arith.constant 0 : i32
        %dma_wait3A_64 = tpu.memref_slice %arg11[%mul3A_2, %dma_wait3A_63] : memref<10000x64xf32, #tpu.memory_space<vmem_shared>> -> memref<632x64xf32, #tpu.memory_space<vmem_shared>>
        %dma_wait3A_65 = arith.constant 0 : i32
        %dma_wait3A_66 = tpu.memref_slice %arg2[%mul3A_2, %dma_wait3A_65] : memref<10000x64xf32, #tpu.memory_space<hbm>> -> memref<632x64xf32, #tpu.memory_space<hbm>>
        tpu.wait_dma2 semaphore(%run_scoped3A : memref<!tpu.dma_semaphore, #tpu.memory_space<semaphore_mem>>) src(%dma_wait3A_66 : memref<632x64xf32, #tpu.memory_space<hbm>>) dst(%dma_wait3A_64 : memref<632x64xf32, #tpu.memory_space<vmem_shared>>)
        tpu.yield
      }) : () -> ()
    } else {
    }
    %eq3A = arith.constant 15 : i32
    %eq3A_5 = arith.cmpi eq, %arg1, %eq3A : i32
    %convert_element_type3A_6 = arith.extui %eq3A_5 : i1 to i32
    %cond3A_7 = arith.constant 0 : i32
    %cond3A_8 = arith.cmpi ne, %convert_element_type3A_6, %cond3A_7 : i32
    scf.if %cond3A_8 {
      "tpu.region"() ({
        %run_scoped3A = tpu.sem_alloc : memref<!tpu.dma_semaphore, #tpu.memory_space<semaphore_mem>>
        %dma_start3A_59 = arith.constant 9480 : i32
        %dma_start3A_60 = arith.constant 0 : i32
        %dma_start3A_61 = tpu.memref_slice %arg11[%dma_start3A_59, %dma_start3A_60] : memref<10000x64xf32, #tpu.memory_space<vmem_shared>> -> memref<520x64xf32, #tpu.memory_space<vmem_shared>>
        %dma_start3A_62 = arith.constant 9480 : i32
        %dma_start3A_63 = arith.constant 0 : i32
        %dma_start3A_64 = tpu.memref_slice %arg2[%dma_start3A_62, %dma_start3A_63] : memref<10000x64xf32, #tpu.memory_space<hbm>> -> memref<520x64xf32, #tpu.memory_space<hbm>>
        tpu.enqueue_dma source(%dma_start3A_64 : memref<520x64xf32, #tpu.memory_space<hbm>>) target(%dma_start3A_61 : memref<520x64xf32, #tpu.memory_space<vmem_shared>>) target_semaphore(%run_scoped3A : memref<!tpu.dma_semaphore, #tpu.memory_space<semaphore_mem>>)
        %dma_wait3A_65 = arith.constant 9480 : i32
        %dma_wait3A_66 = arith.constant 0 : i32
        %dma_wait3A_67 = tpu.memref_slice %arg11[%dma_wait3A_65, %dma_wait3A_66] : memref<10000x64xf32, #tpu.memory_space<vmem_shared>> -> memref<520x64xf32, #tpu.memory_space<vmem_shared>>
        %dma_wait3A_68 = arith.constant 9480 : i32
        %dma_wait3A_69 = arith.constant 0 : i32
        %dma_wait3A_70 = tpu.memref_slice %arg2[%dma_wait3A_68, %dma_wait3A_69] : memref<10000x64xf32, #tpu.memory_space<hbm>> -> memref<520x64xf32, #tpu.memory_space<hbm>>
        tpu.wait_dma2 semaphore(%run_scoped3A : memref<!tpu.dma_semaphore, #tpu.memory_space<semaphore_mem>>) src(%dma_wait3A_70 : memref<520x64xf32, #tpu.memory_space<hbm>>) dst(%dma_wait3A_67 : memref<520x64xf32, #tpu.memory_space<vmem_shared>>)
        tpu.yield
      }) : () -> ()
    } else {
    }
    "tpu.region"() ({
      %run_scoped3A = tpu.sem_alloc : memref<!tpu.dma_semaphore, #tpu.memory_space<semaphore_mem>>
      %dma_start3A_59 = arith.constant 0 : i32
      %dma_start3A_60 = arith.constant 0 : i32
      %dma_start3A_61 = tpu.memref_slice %arg3[%add3A, %dma_start3A_59, %dma_start3A_60] : memref<32x80x128xi32, #tpu.memory_space<hbm>> -> memref<1x80x128xi32, #tpu.memory_space<hbm>>
      %dma_start3A_62 = tpu.memref_squeeze %dma_start3A_61 : memref<1x80x128xi32, #tpu.memory_space<hbm>> -> memref<80x128xi32, #tpu.memory_space<hbm>>
      %dma_start3A_63 = arith.constant 0 : i32
      %dma_start3A_64 = arith.constant 0 : i32
      %dma_start3A_65 = tpu.memref_slice %arg3[%add3A, %dma_start3A_63, %dma_start3A_64] : memref<32x80x128xi32, #tpu.memory_space<hbm>> -> memref<1x80x128xi32, #tpu.memory_space<hbm>>
      %dma_start3A_66 = tpu.memref_squeeze %dma_start3A_65 : memref<1x80x128xi32, #tpu.memory_space<hbm>> -> memref<80x128xi32, #tpu.memory_space<hbm>>
      tpu.enqueue_dma source(%dma_start3A_66 : memref<80x128xi32, #tpu.memory_space<hbm>>) target(%arg7 : memref<80x128xi32, #tpu.memory_space<vmem>>) target_semaphore(%run_scoped3A : memref<!tpu.dma_semaphore, #tpu.memory_space<semaphore_mem>>)
      %dma_wait3A_67 = arith.constant 0 : i32
      %dma_wait3A_68 = arith.constant 0 : i32
      %dma_wait3A_69 = tpu.memref_slice %arg3[%add3A, %dma_wait3A_67, %dma_wait3A_68] : memref<32x80x128xi32, #tpu.memory_space<hbm>> -> memref<1x80x128xi32, #tpu.memory_space<hbm>>
      %dma_wait3A_70 = tpu.memref_squeeze %dma_wait3A_69 : memref<1x80x128xi32, #tpu.memory_space<hbm>> -> memref<80x128xi32, #tpu.memory_space<hbm>>
      %dma_wait3A_71 = arith.constant 0 : i32
      %dma_wait3A_72 = arith.constant 0 : i32
      %dma_wait3A_73 = tpu.memref_slice %arg3[%add3A, %dma_wait3A_71, %dma_wait3A_72] : memref<32x80x128xi32, #tpu.memory_space<hbm>> -> memref<1x80x128xi32, #tpu.memory_space<hbm>>
      %dma_wait3A_74 = tpu.memref_squeeze %dma_wait3A_73 : memref<1x80x128xi32, #tpu.memory_space<hbm>> -> memref<80x128xi32, #tpu.memory_space<hbm>>
      tpu.wait_dma2 semaphore(%run_scoped3A : memref<!tpu.dma_semaphore, #tpu.memory_space<semaphore_mem>>) src(%dma_wait3A_74 : memref<80x128xi32, #tpu.memory_space<hbm>>) dst(%arg7 : memref<80x128xi32, #tpu.memory_space<vmem>>)
      tpu.yield
    }) : () -> ()
    "tpu.region"() ({
      %run_scoped3A = tpu.sem_alloc : memref<!tpu.dma_semaphore, #tpu.memory_space<semaphore_mem>>
      %dma_start3A_59 = arith.constant 0 : i32
      %dma_start3A_60 = arith.constant 0 : i32
      %dma_start3A_61 = tpu.memref_slice %arg4[%add3A, %dma_start3A_59, %dma_start3A_60] : memref<32x80x128xi32, #tpu.memory_space<hbm>> -> memref<1x80x128xi32, #tpu.memory_space<hbm>>
      %dma_start3A_62 = tpu.memref_squeeze %dma_start3A_61 : memref<1x80x128xi32, #tpu.memory_space<hbm>> -> memref<80x128xi32, #tpu.memory_space<hbm>>
      %dma_start3A_63 = arith.constant 0 : i32
      %dma_start3A_64 = arith.constant 0 : i32
      %dma_start3A_65 = tpu.memref_slice %arg4[%add3A, %dma_start3A_63, %dma_start3A_64] : memref<32x80x128xi32, #tpu.memory_space<hbm>> -> memref<1x80x128xi32, #tpu.memory_space<hbm>>
      %dma_start3A_66 = tpu.memref_squeeze %dma_start3A_65 : memref<1x80x128xi32, #tpu.memory_space<hbm>> -> memref<80x128xi32, #tpu.memory_space<hbm>>
      tpu.enqueue_dma source(%dma_start3A_66 : memref<80x128xi32, #tpu.memory_space<hbm>>) target(%arg8 : memref<80x128xi32, #tpu.memory_space<vmem>>) target_semaphore(%run_scoped3A : memref<!tpu.dma_semaphore, #tpu.memory_space<semaphore_mem>>)
      %dma_wait3A_67 = arith.constant 0 : i32
      %dma_wait3A_68 = arith.constant 0 : i32
      %dma_wait3A_69 = tpu.memref_slice %arg4[%add3A, %dma_wait3A_67, %dma_wait3A_68] : memref<32x80x128xi32, #tpu.memory_space<hbm>> -> memref<1x80x128xi32, #tpu.memory_space<hbm>>
      %dma_wait3A_70 = tpu.memref_squeeze %dma_wait3A_69 : memref<1x80x128xi32, #tpu.memory_space<hbm>> -> memref<80x128xi32, #tpu.memory_space<hbm>>
      %dma_wait3A_71 = arith.constant 0 : i32
      %dma_wait3A_72 = arith.constant 0 : i32
      %dma_wait3A_73 = tpu.memref_slice %arg4[%add3A, %dma_wait3A_71, %dma_wait3A_72] : memref<32x80x128xi32, #tpu.memory_space<hbm>> -> memref<1x80x128xi32, #tpu.memory_space<hbm>>
      %dma_wait3A_74 = tpu.memref_squeeze %dma_wait3A_73 : memref<1x80x128xi32, #tpu.memory_space<hbm>> -> memref<80x128xi32, #tpu.memory_space<hbm>>
      tpu.wait_dma2 semaphore(%run_scoped3A : memref<!tpu.dma_semaphore, #tpu.memory_space<semaphore_mem>>) src(%dma_wait3A_74 : memref<80x128xi32, #tpu.memory_space<hbm>>) dst(%arg8 : memref<80x128xi32, #tpu.memory_space<vmem>>)
      tpu.yield
    }) : () -> ()
    %barrier3A = arith.constant 0 : index
    tpu.barrier barrier_id(%barrier3A)
    %eq3A_9 = arith.constant 0 : i32
    "tpu.trace_stop"() : () -> ()
    %eq3A_10 = arith.cmpi eq, %arg0, %eq3A_9 : i32
    %select_n3A = arith.constant 80 : i32
    %select_n3A_11 = arith.constant 80 : i32
    %select_n3A_12 = arith.select %eq3A_10, %select_n3A_11, %select_n3A : i32
    %eq3A_13 = arith.constant 0 : i32
    %eq3A_14 = arith.cmpi eq, %arg0, %eq3A_13 : i32
    %select_n3A_15 = arith.constant 39 : i32
    %select_n3A_16 = arith.constant 39 : i32
    %select_n3A_17 = arith.select %eq3A_14, %select_n3A_16, %select_n3A_15 : i32
    %dma_start3A = arith.constant 0 : i32
    %dma_start3A_18 = arith.constant 0 : i32
    %dma_start3A_19 = tpu.memref_slice %arg7[%dma_start3A, %dma_start3A_18] : memref<80x128xi32, #tpu.memory_space<vmem>> -> memref<1x128xi32, #tpu.memory_space<vmem>>
    %dma_start3A_20 = tpu.memref_squeeze %dma_start3A_19 : memref<1x128xi32, #tpu.memory_space<vmem>> -> memref<128xi32, #tpu.memory_space<vmem>>
    %dma_start3A_21 = arith.constant 0 : i32
    %dma_start3A_22 = arith.constant 0 : i32
    %dma_start3A_23 = tpu.memref_slice %arg11[%dma_start3A_21, %dma_start3A_22] : memref<10000x64xf32, #tpu.memory_space<vmem_shared>> -> memref<10000x64xf32, #tpu.memory_space<vmem_shared>>
    tpu.enqueue_indirect_dma source(%dma_start3A_23 : memref<10000x64xf32, #tpu.memory_space<vmem_shared>>) target(%arg9 : memref<128x64xf32, #tpu.memory_space<vmem>>) offsets(%dma_start3A_20 : memref<128xi32, #tpu.memory_space<vmem>>) semaphore(%arg13 : memref<!tpu.dma_semaphore, #tpu.memory_space<semaphore_mem>>)
    %dma_start3A_24 = arith.constant 1 : i32
    %dma_start3A_25 = arith.constant 0 : i32
    %dma_start3A_26 = tpu.memref_slice %arg7[%dma_start3A_24, %dma_start3A_25] : memref<80x128xi32, #tpu.memory_space<vmem>> -> memref<1x128xi32, #tpu.memory_space<vmem>>
    %dma_start3A_27 = tpu.memref_squeeze %dma_start3A_26 : memref<1x128xi32, #tpu.memory_space<vmem>> -> memref<128xi32, #tpu.memory_space<vmem>>
    %dma_start3A_28 = arith.constant 0 : i32
    %dma_start3A_29 = arith.constant 0 : i32
    %dma_start3A_30 = tpu.memref_slice %arg11[%dma_start3A_28, %dma_start3A_29] : memref<10000x64xf32, #tpu.memory_space<vmem_shared>> -> memref<10000x64xf32, #tpu.memory_space<vmem_shared>>
    tpu.enqueue_indirect_dma source(%dma_start3A_30 : memref<10000x64xf32, #tpu.memory_space<vmem_shared>>) target(%arg10 : memref<128x64xf32, #tpu.memory_space<vmem>>) offsets(%dma_start3A_27 : memref<128xi32, #tpu.memory_space<vmem>>) semaphore(%arg14 : memref<!tpu.dma_semaphore, #tpu.memory_space<semaphore_mem>>)
    %while3A = arith.constant 0 : i32
    %while3A_31 = arith.constant 0 : i32
    "tpu.trace_start"() <{level = 10 : i32, message = "seg_edges"}> : () -> ()
    %while3A_32 = arith.subi %select_n3A_17, %while3A_31 : i32
    %while3A_33 = arith.addi %while3A_31, %while3A_32 : i32
    %while3A_34 = arith.constant 1 : i32
    %while3A_35 = arith.divsi %while3A_32, %while3A_34 : i32
    %while3A_36 = arith.muli %while3A_35, %while3A_34 : i32
    %while3A_37 = arith.addi %while3A_31, %while3A_36 : i32
    %while3A_38 = arith.constant 1 : i32
    scf.for %while3A_59 = %while3A_31 to %while3A_37 step %while3A_38  : i32 {
      %mul3A_60 = arith.constant 2 : i32
      %mul3A_61 = arith.muli %while3A_59, %mul3A_60 : i32
      %add3A_62 = arith.constant 0 : i32
      %add3A_63 = arith.addi %mul3A_61, %add3A_62 : i32
      %dma_wait3A_64 = arith.constant 0 : i32
      %dma_wait3A_65 = tpu.memref_slice %arg7[%add3A_63, %dma_wait3A_64] : memref<80x128xi32, #tpu.memory_space<vmem>> -> memref<1x128xi32, #tpu.memory_space<vmem>>
      %dma_wait3A_66 = tpu.memref_squeeze %dma_wait3A_65 : memref<1x128xi32, #tpu.memory_space<vmem>> -> memref<128xi32, #tpu.memory_space<vmem>>
      %dma_wait3A_67 = arith.constant 0 : i32
      %dma_wait3A_68 = arith.constant 0 : i32
      %dma_wait3A_69 = tpu.memref_slice %arg11[%dma_wait3A_67, %dma_wait3A_68] : memref<10000x64xf32, #tpu.memory_space<vmem_shared>> -> memref<10000x64xf32, #tpu.memory_space<vmem_shared>>
      tpu.wait_indirect_dma semaphore(%arg13 : memref<!tpu.dma_semaphore, #tpu.memory_space<semaphore_mem>>) src(%dma_wait3A_69 : memref<10000x64xf32, #tpu.memory_space<vmem_shared>>) dst(%arg9 : memref<128x64xf32, #tpu.memory_space<vmem>>)
      "tpu.region"() ({
        %run_scoped3A = tpu.sem_alloc : memref<!tpu.dma_semaphore, #tpu.memory_space<semaphore_mem>>
        %dma_start3A_96 = arith.constant 0 : i32
        %dma_start3A_97 = tpu.memref_slice %arg8[%add3A_63, %dma_start3A_96] : memref<80x128xi32, #tpu.memory_space<vmem>> -> memref<1x128xi32, #tpu.memory_space<vmem>>
        %dma_start3A_98 = tpu.memref_squeeze %dma_start3A_97 : memref<1x128xi32, #tpu.memory_space<vmem>> -> memref<128xi32, #tpu.memory_space<vmem>>
        %dma_start3A_99 = arith.constant 0 : i32
        %dma_start3A_100 = arith.constant 0 : i32
        %dma_start3A_101 = tpu.memref_slice %arg12[%dma_start3A_99, %dma_start3A_100] : memref<10112x64xf32, #tpu.memory_space<vmem_shared>> -> memref<10112x64xf32, #tpu.memory_space<vmem_shared>>
        tpu.enqueue_indirect_dma source(%arg9 : memref<128x64xf32, #tpu.memory_space<vmem>>) target(%dma_start3A_101 : memref<10112x64xf32, #tpu.memory_space<vmem_shared>>) offsets(%dma_start3A_98 : memref<128xi32, #tpu.memory_space<vmem>>) semaphore(%run_scoped3A : memref<!tpu.dma_semaphore, #tpu.memory_space<semaphore_mem>>) {add = true}
        %dma_wait3A_102 = arith.constant 0 : i32
        %dma_wait3A_103 = tpu.memref_slice %arg8[%add3A_63, %dma_wait3A_102] : memref<80x128xi32, #tpu.memory_space<vmem>> -> memref<1x128xi32, #tpu.memory_space<vmem>>
        %dma_wait3A_104 = tpu.memref_squeeze %dma_wait3A_103 : memref<1x128xi32, #tpu.memory_space<vmem>> -> memref<128xi32, #tpu.memory_space<vmem>>
        %dma_wait3A_105 = arith.constant 0 : i32
        %dma_wait3A_106 = arith.constant 0 : i32
        %dma_wait3A_107 = tpu.memref_slice %arg12[%dma_wait3A_105, %dma_wait3A_106] : memref<10112x64xf32, #tpu.memory_space<vmem_shared>> -> memref<10112x64xf32, #tpu.memory_space<vmem_shared>>
        tpu.wait_indirect_dma semaphore(%run_scoped3A : memref<!tpu.dma_semaphore, #tpu.memory_space<semaphore_mem>>) src(%arg9 : memref<128x64xf32, #tpu.memory_space<vmem>>) dst(%dma_wait3A_107 : memref<10112x64xf32, #tpu.memory_space<vmem_shared>>)
        tpu.yield
      }) : () -> ()
      %add3A_70 = arith.constant 2 : i32
      %add3A_71 = arith.addi %add3A_63, %add3A_70 : i32
      %dma_start3A_72 = arith.constant 0 : i32
      %dma_start3A_73 = tpu.memref_slice %arg7[%add3A_71, %dma_start3A_72] : memref<80x128xi32, #tpu.memory_space<vmem>> -> memref<1x128xi32, #tpu.memory_space<vmem>>
      %dma_start3A_74 = tpu.memref_squeeze %dma_start3A_73 : memref<1x128xi32, #tpu.memory_space<vmem>> -> memref<128xi32, #tpu.memory_space<vmem>>
      %dma_start3A_75 = arith.constant 0 : i32
      %dma_start3A_76 = arith.constant 0 : i32
      %dma_start3A_77 = tpu.memref_slice %arg11[%dma_start3A_75, %dma_start3A_76] : memref<10000x64xf32, #tpu.memory_space<vmem_shared>> -> memref<10000x64xf32, #tpu.memory_space<vmem_shared>>
      tpu.enqueue_indirect_dma source(%dma_start3A_77 : memref<10000x64xf32, #tpu.memory_space<vmem_shared>>) target(%arg9 : memref<128x64xf32, #tpu.memory_space<vmem>>) offsets(%dma_start3A_74 : memref<128xi32, #tpu.memory_space<vmem>>) semaphore(%arg13 : memref<!tpu.dma_semaphore, #tpu.memory_space<semaphore_mem>>)
      %mul3A_78 = arith.constant 2 : i32
      %mul3A_79 = arith.muli %while3A_59, %mul3A_78 : i32
      %add3A_80 = arith.constant 1 : i32
      %add3A_81 = arith.addi %mul3A_79, %add3A_80 : i32
      %dma_wait3A_82 = arith.constant 0 : i32
      %dma_wait3A_83 = tpu.memref_slice %arg7[%add3A_81, %dma_wait3A_82] : memref<80x128xi32, #tpu.memory_space<vmem>> -> memref<1x128xi32, #tpu.memory_space<vmem>>
      %dma_wait3A_84 = tpu.memref_squeeze %dma_wait3A_83 : memref<1x128xi32, #tpu.memory_space<vmem>> -> memref<128xi32, #tpu.memory_space<vmem>>
      %dma_wait3A_85 = arith.constant 0 : i32
      %dma_wait3A_86 = arith.constant 0 : i32
      %dma_wait3A_87 = tpu.memref_slice %arg11[%dma_wait3A_85, %dma_wait3A_86] : memref<10000x64xf32, #tpu.memory_space<vmem_shared>> -> memref<10000x64xf32, #tpu.memory_space<vmem_shared>>
      tpu.wait_indirect_dma semaphore(%arg14 : memref<!tpu.dma_semaphore, #tpu.memory_space<semaphore_mem>>) src(%dma_wait3A_87 : memref<10000x64xf32, #tpu.memory_space<vmem_shared>>) dst(%arg10 : memref<128x64xf32, #tpu.memory_space<vmem>>)
      "tpu.region"() ({
        %run_scoped3A = tpu.sem_alloc : memref<!tpu.dma_semaphore, #tpu.memory_space<semaphore_mem>>
        %dma_start3A_96 = arith.constant 0 : i32
        %dma_start3A_97 = tpu.memref_slice %arg8[%add3A_81, %dma_start3A_96] : memref<80x128xi32, #tpu.memory_space<vmem>> -> memref<1x128xi32, #tpu.memory_space<vmem>>
        %dma_start3A_98 = tpu.memref_squeeze %dma_start3A_97 : memref<1x128xi32, #tpu.memory_space<vmem>> -> memref<128xi32, #tpu.memory_space<vmem>>
        %dma_start3A_99 = arith.constant 0 : i32
        %dma_start3A_100 = arith.constant 0 : i32
        %dma_start3A_101 = tpu.memref_slice %arg12[%dma_start3A_99, %dma_start3A_100] : memref<10112x64xf32, #tpu.memory_space<vmem_shared>> -> memref<10112x64xf32, #tpu.memory_space<vmem_shared>>
        tpu.enqueue_indirect_dma source(%arg10 : memref<128x64xf32, #tpu.memory_space<vmem>>) target(%dma_start3A_101 : memref<10112x64xf32, #tpu.memory_space<vmem_shared>>) offsets(%dma_start3A_98 : memref<128xi32, #tpu.memory_space<vmem>>) semaphore(%run_scoped3A : memref<!tpu.dma_semaphore, #tpu.memory_space<semaphore_mem>>) {add = true}
        %dma_wait3A_102 = arith.constant 0 : i32
        %dma_wait3A_103 = tpu.memref_slice %arg8[%add3A_81, %dma_wait3A_102] : memref<80x128xi32, #tpu.memory_space<vmem>> -> memref<1x128xi32, #tpu.memory_space<vmem>>
        %dma_wait3A_104 = tpu.memref_squeeze %dma_wait3A_103 : memref<1x128xi32, #tpu.memory_space<vmem>> -> memref<128xi32, #tpu.memory_space<vmem>>
        %dma_wait3A_105 = arith.constant 0 : i32
        %dma_wait3A_106 = arith.constant 0 : i32
        %dma_wait3A_107 = tpu.memref_slice %arg12[%dma_wait3A_105, %dma_wait3A_106] : memref<10112x64xf32, #tpu.memory_space<vmem_shared>> -> memref<10112x64xf32, #tpu.memory_space<vmem_shared>>
        tpu.wait_indirect_dma semaphore(%run_scoped3A : memref<!tpu.dma_semaphore, #tpu.memory_space<semaphore_mem>>) src(%arg10 : memref<128x64xf32, #tpu.memory_space<vmem>>) dst(%dma_wait3A_107 : memref<10112x64xf32, #tpu.memory_space<vmem_shared>>)
        tpu.yield
      }) : () -> ()
      %add3A_88 = arith.constant 2 : i32
      %add3A_89 = arith.addi %add3A_81, %add3A_88 : i32
      %dma_start3A_90 = arith.constant 0 : i32
      %dma_start3A_91 = tpu.memref_slice %arg7[%add3A_89, %dma_start3A_90] : memref<80x128xi32, #tpu.memory_space<vmem>> -> memref<1x128xi32, #tpu.memory_space<vmem>>
      %dma_start3A_92 = tpu.memref_squeeze %dma_start3A_91 : memref<1x128xi32, #tpu.memory_space<vmem>> -> memref<128xi32, #tpu.memory_space<vmem>>
      %dma_start3A_93 = arith.constant 0 : i32
      %dma_start3A_94 = arith.constant 0 : i32
      %dma_start3A_95 = tpu.memref_slice %arg11[%dma_start3A_93, %dma_start3A_94] : memref<10000x64xf32, #tpu.memory_space<vmem_shared>> -> memref<10000x64xf32, #tpu.memory_space<vmem_shared>>
      tpu.enqueue_indirect_dma source(%dma_start3A_95 : memref<10000x64xf32, #tpu.memory_space<vmem_shared>>) target(%arg10 : memref<128x64xf32, #tpu.memory_space<vmem>>) offsets(%dma_start3A_92 : memref<128xi32, #tpu.memory_space<vmem>>) semaphore(%arg14 : memref<!tpu.dma_semaphore, #tpu.memory_space<semaphore_mem>>)
    }
    %while3A_39 = arith.constant 1 : i32
    scf.for %while3A_59 = %while3A_37 to %while3A_33 step %while3A_39  : i32 {
      %mul3A_60 = arith.constant 2 : i32
      %mul3A_61 = arith.muli %while3A_59, %mul3A_60 : i32
      %add3A_62 = arith.constant 0 : i32
      %add3A_63 = arith.addi %mul3A_61, %add3A_62 : i32
      %dma_wait3A_64 = arith.constant 0 : i32
      %dma_wait3A_65 = tpu.memref_slice %arg7[%add3A_63, %dma_wait3A_64] : memref<80x128xi32, #tpu.memory_space<vmem>> -> memref<1x128xi32, #tpu.memory_space<vmem>>
      %dma_wait3A_66 = tpu.memref_squeeze %dma_wait3A_65 : memref<1x128xi32, #tpu.memory_space<vmem>> -> memref<128xi32, #tpu.memory_space<vmem>>
      %dma_wait3A_67 = arith.constant 0 : i32
      %dma_wait3A_68 = arith.constant 0 : i32
      %dma_wait3A_69 = tpu.memref_slice %arg11[%dma_wait3A_67, %dma_wait3A_68] : memref<10000x64xf32, #tpu.memory_space<vmem_shared>> -> memref<10000x64xf32, #tpu.memory_space<vmem_shared>>
      tpu.wait_indirect_dma semaphore(%arg13 : memref<!tpu.dma_semaphore, #tpu.memory_space<semaphore_mem>>) src(%dma_wait3A_69 : memref<10000x64xf32, #tpu.memory_space<vmem_shared>>) dst(%arg9 : memref<128x64xf32, #tpu.memory_space<vmem>>)
      "tpu.region"() ({
        %run_scoped3A = tpu.sem_alloc : memref<!tpu.dma_semaphore, #tpu.memory_space<semaphore_mem>>
        %dma_start3A_96 = arith.constant 0 : i32
        %dma_start3A_97 = tpu.memref_slice %arg8[%add3A_63, %dma_start3A_96] : memref<80x128xi32, #tpu.memory_space<vmem>> -> memref<1x128xi32, #tpu.memory_space<vmem>>
        %dma_start3A_98 = tpu.memref_squeeze %dma_start3A_97 : memref<1x128xi32, #tpu.memory_space<vmem>> -> memref<128xi32, #tpu.memory_space<vmem>>
        %dma_start3A_99 = arith.constant 0 : i32
        %dma_start3A_100 = arith.constant 0 : i32
        %dma_start3A_101 = tpu.memref_slice %arg12[%dma_start3A_99, %dma_start3A_100] : memref<10112x64xf32, #tpu.memory_space<vmem_shared>> -> memref<10112x64xf32, #tpu.memory_space<vmem_shared>>
        tpu.enqueue_indirect_dma source(%arg9 : memref<128x64xf32, #tpu.memory_space<vmem>>) target(%dma_start3A_101 : memref<10112x64xf32, #tpu.memory_space<vmem_shared>>) offsets(%dma_start3A_98 : memref<128xi32, #tpu.memory_space<vmem>>) semaphore(%run_scoped3A : memref<!tpu.dma_semaphore, #tpu.memory_space<semaphore_mem>>) {add = true}
        %dma_wait3A_102 = arith.constant 0 : i32
        %dma_wait3A_103 = tpu.memref_slice %arg8[%add3A_63, %dma_wait3A_102] : memref<80x128xi32, #tpu.memory_space<vmem>> -> memref<1x128xi32, #tpu.memory_space<vmem>>
        %dma_wait3A_104 = tpu.memref_squeeze %dma_wait3A_103 : memref<1x128xi32, #tpu.memory_space<vmem>> -> memref<128xi32, #tpu.memory_space<vmem>>
        %dma_wait3A_105 = arith.constant 0 : i32
        %dma_wait3A_106 = arith.constant 0 : i32
        %dma_wait3A_107 = tpu.memref_slice %arg12[%dma_wait3A_105, %dma_wait3A_106] : memref<10112x64xf32, #tpu.memory_space<vmem_shared>> -> memref<10112x64xf32, #tpu.memory_space<vmem_shared>>
        tpu.wait_indirect_dma semaphore(%run_scoped3A : memref<!tpu.dma_semaphore, #tpu.memory_space<semaphore_mem>>) src(%arg9 : memref<128x64xf32, #tpu.memory_space<vmem>>) dst(%dma_wait3A_107 : memref<10112x64xf32, #tpu.memory_space<vmem_shared>>)
        tpu.yield
      }) : () -> ()
      %add3A_70 = arith.constant 2 : i32
      %add3A_71 = arith.addi %add3A_63, %add3A_70 : i32
      %dma_start3A_72 = arith.constant 0 : i32
      %dma_start3A_73 = tpu.memref_slice %arg7[%add3A_71, %dma_start3A_72] : memref<80x128xi32, #tpu.memory_space<vmem>> -> memref<1x128xi32, #tpu.memory_space<vmem>>
      %dma_start3A_74 = tpu.memref_squeeze %dma_start3A_73 : memref<1x128xi32, #tpu.memory_space<vmem>> -> memref<128xi32, #tpu.memory_space<vmem>>
      %dma_start3A_75 = arith.constant 0 : i32
      %dma_start3A_76 = arith.constant 0 : i32
      %dma_start3A_77 = tpu.memref_slice %arg11[%dma_start3A_75, %dma_start3A_76] : memref<10000x64xf32, #tpu.memory_space<vmem_shared>> -> memref<10000x64xf32, #tpu.memory_space<vmem_shared>>
      tpu.enqueue_indirect_dma source(%dma_start3A_77 : memref<10000x64xf32, #tpu.memory_space<vmem_shared>>) target(%arg9 : memref<128x64xf32, #tpu.memory_space<vmem>>) offsets(%dma_start3A_74 : memref<128xi32, #tpu.memory_space<vmem>>) semaphore(%arg13 : memref<!tpu.dma_semaphore, #tpu.memory_space<semaphore_mem>>)
      %mul3A_78 = arith.constant 2 : i32
      %mul3A_79 = arith.muli %while3A_59, %mul3A_78 : i32
      %add3A_80 = arith.constant 1 : i32
      %add3A_81 = arith.addi %mul3A_79, %add3A_80 : i32
      %dma_wait3A_82 = arith.constant 0 : i32
      %dma_wait3A_83 = tpu.memref_slice %arg7[%add3A_81, %dma_wait3A_82] : memref<80x128xi32, #tpu.memory_space<vmem>> -> memref<1x128xi32, #tpu.memory_space<vmem>>
      %dma_wait3A_84 = tpu.memref_squeeze %dma_wait3A_83 : memref<1x128xi32, #tpu.memory_space<vmem>> -> memref<128xi32, #tpu.memory_space<vmem>>
      %dma_wait3A_85 = arith.constant 0 : i32
      %dma_wait3A_86 = arith.constant 0 : i32
      %dma_wait3A_87 = tpu.memref_slice %arg11[%dma_wait3A_85, %dma_wait3A_86] : memref<10000x64xf32, #tpu.memory_space<vmem_shared>> -> memref<10000x64xf32, #tpu.memory_space<vmem_shared>>
      tpu.wait_indirect_dma semaphore(%arg14 : memref<!tpu.dma_semaphore, #tpu.memory_space<semaphore_mem>>) src(%dma_wait3A_87 : memref<10000x64xf32, #tpu.memory_space<vmem_shared>>) dst(%arg10 : memref<128x64xf32, #tpu.memory_space<vmem>>)
      "tpu.region"() ({
        %run_scoped3A = tpu.sem_alloc : memref<!tpu.dma_semaphore, #tpu.memory_space<semaphore_mem>>
        %dma_start3A_96 = arith.constant 0 : i32
        %dma_start3A_97 = tpu.memref_slice %arg8[%add3A_81, %dma_start3A_96] : memref<80x128xi32, #tpu.memory_space<vmem>> -> memref<1x128xi32, #tpu.memory_space<vmem>>
        %dma_start3A_98 = tpu.memref_squeeze %dma_start3A_97 : memref<1x128xi32, #tpu.memory_space<vmem>> -> memref<128xi32, #tpu.memory_space<vmem>>
        %dma_start3A_99 = arith.constant 0 : i32
        %dma_start3A_100 = arith.constant 0 : i32
        %dma_start3A_101 = tpu.memref_slice %arg12[%dma_start3A_99, %dma_start3A_100] : memref<10112x64xf32, #tpu.memory_space<vmem_shared>> -> memref<10112x64xf32, #tpu.memory_space<vmem_shared>>
        tpu.enqueue_indirect_dma source(%arg10 : memref<128x64xf32, #tpu.memory_space<vmem>>) target(%dma_start3A_101 : memref<10112x64xf32, #tpu.memory_space<vmem_shared>>) offsets(%dma_start3A_98 : memref<128xi32, #tpu.memory_space<vmem>>) semaphore(%run_scoped3A : memref<!tpu.dma_semaphore, #tpu.memory_space<semaphore_mem>>) {add = true}
        %dma_wait3A_102 = arith.constant 0 : i32
        %dma_wait3A_103 = tpu.memref_slice %arg8[%add3A_81, %dma_wait3A_102] : memref<80x128xi32, #tpu.memory_space<vmem>> -> memref<1x128xi32, #tpu.memory_space<vmem>>
        %dma_wait3A_104 = tpu.memref_squeeze %dma_wait3A_103 : memref<1x128xi32, #tpu.memory_space<vmem>> -> memref<128xi32, #tpu.memory_space<vmem>>
        %dma_wait3A_105 = arith.constant 0 : i32
        %dma_wait3A_106 = arith.constant 0 : i32
        %dma_wait3A_107 = tpu.memref_slice %arg12[%dma_wait3A_105, %dma_wait3A_106] : memref<10112x64xf32, #tpu.memory_space<vmem_shared>> -> memref<10112x64xf32, #tpu.memory_space<vmem_shared>>
        tpu.wait_indirect_dma semaphore(%run_scoped3A : memref<!tpu.dma_semaphore, #tpu.memory_space<semaphore_mem>>) src(%arg10 : memref<128x64xf32, #tpu.memory_space<vmem>>) dst(%dma_wait3A_107 : memref<10112x64xf32, #tpu.memory_space<vmem_shared>>)
        tpu.yield
      }) : () -> ()
      %add3A_88 = arith.constant 2 : i32
      %add3A_89 = arith.addi %add3A_81, %add3A_88 : i32
      %dma_start3A_90 = arith.constant 0 : i32
      %dma_start3A_91 = tpu.memref_slice %arg7[%add3A_89, %dma_start3A_90] : memref<80x128xi32, #tpu.memory_space<vmem>> -> memref<1x128xi32, #tpu.memory_space<vmem>>
      %dma_start3A_92 = tpu.memref_squeeze %dma_start3A_91 : memref<1x128xi32, #tpu.memory_space<vmem>> -> memref<128xi32, #tpu.memory_space<vmem>>
      %dma_start3A_93 = arith.constant 0 : i32
      %dma_start3A_94 = arith.constant 0 : i32
      %dma_start3A_95 = tpu.memref_slice %arg11[%dma_start3A_93, %dma_start3A_94] : memref<10000x64xf32, #tpu.memory_space<vmem_shared>> -> memref<10000x64xf32, #tpu.memory_space<vmem_shared>>
      tpu.enqueue_indirect_dma source(%dma_start3A_95 : memref<10000x64xf32, #tpu.memory_space<vmem_shared>>) target(%arg10 : memref<128x64xf32, #tpu.memory_space<vmem>>) offsets(%dma_start3A_92 : memref<128xi32, #tpu.memory_space<vmem>>) semaphore(%arg14 : memref<!tpu.dma_semaphore, #tpu.memory_space<semaphore_mem>>)
    }
    %sub3A = arith.constant 2 : i32
    %sub3A_40 = arith.subi %select_n3A_12, %sub3A : i32
    %add3A_41 = arith.constant 0 : i32
    %add3A_42 = arith.addi %sub3A_40, %add3A_41 : i32
    %dma_wait3A = arith.constant 0 : i32
    %dma_wait3A_43 = tpu.memref_slice %arg7[%add3A_42, %dma_wait3A] : memref<80x128xi32, #tpu.memory_space<vmem>> -> memref<1x128xi32, #tpu.memory_space<vmem>>
    %dma_wait3A_44 = tpu.memref_squeeze %dma_wait3A_43 : memref<1x128xi32, #tpu.memory_space<vmem>> -> memref<128xi32, #tpu.memory_space<vmem>>
    %dma_wait3A_45 = arith.constant 0 : i32
    %dma_wait3A_46 = arith.constant 0 : i32
    %dma_wait3A_47 = tpu.memref_slice %arg11[%dma_wait3A_45, %dma_wait3A_46] : memref<10000x64xf32, #tpu.memory_space<vmem_shared>> -> memref<10000x64xf32, #tpu.memory_space<vmem_shared>>
    tpu.wait_indirect_dma semaphore(%arg13 : memref<!tpu.dma_semaphore, #tpu.memory_space<semaphore_mem>>) src(%dma_wait3A_47 : memref<10000x64xf32, #tpu.memory_space<vmem_shared>>) dst(%arg9 : memref<128x64xf32, #tpu.memory_space<vmem>>)
    "tpu.region"() ({
      %run_scoped3A = tpu.sem_alloc : memref<!tpu.dma_semaphore, #tpu.memory_space<semaphore_mem>>
      %dma_start3A_59 = arith.constant 0 : i32
      %dma_start3A_60 = tpu.memref_slice %arg8[%add3A_42, %dma_start3A_59] : memref<80x128xi32, #tpu.memory_space<vmem>> -> memref<1x128xi32, #tpu.memory_space<vmem>>
      %dma_start3A_61 = tpu.memref_squeeze %dma_start3A_60 : memref<1x128xi32, #tpu.memory_space<vmem>> -> memref<128xi32, #tpu.memory_space<vmem>>
      %dma_start3A_62 = arith.constant 0 : i32
      %dma_start3A_63 = arith.constant 0 : i32
      %dma_start3A_64 = tpu.memref_slice %arg12[%dma_start3A_62, %dma_start3A_63] : memref<10112x64xf32, #tpu.memory_space<vmem_shared>> -> memref<10112x64xf32, #tpu.memory_space<vmem_shared>>
      tpu.enqueue_indirect_dma source(%arg9 : memref<128x64xf32, #tpu.memory_space<vmem>>) target(%dma_start3A_64 : memref<10112x64xf32, #tpu.memory_space<vmem_shared>>) offsets(%dma_start3A_61 : memref<128xi32, #tpu.memory_space<vmem>>) semaphore(%run_scoped3A : memref<!tpu.dma_semaphore, #tpu.memory_space<semaphore_mem>>) {add = true}
      %dma_wait3A_65 = arith.constant 0 : i32
      %dma_wait3A_66 = tpu.memref_slice %arg8[%add3A_42, %dma_wait3A_65] : memref<80x128xi32, #tpu.memory_space<vmem>> -> memref<1x128xi32, #tpu.memory_space<vmem>>
      %dma_wait3A_67 = tpu.memref_squeeze %dma_wait3A_66 : memref<1x128xi32, #tpu.memory_space<vmem>> -> memref<128xi32, #tpu.memory_space<vmem>>
      %dma_wait3A_68 = arith.constant 0 : i32
      %dma_wait3A_69 = arith.constant 0 : i32
      %dma_wait3A_70 = tpu.memref_slice %arg12[%dma_wait3A_68, %dma_wait3A_69] : memref<10112x64xf32, #tpu.memory_space<vmem_shared>> -> memref<10112x64xf32, #tpu.memory_space<vmem_shared>>
      tpu.wait_indirect_dma semaphore(%run_scoped3A : memref<!tpu.dma_semaphore, #tpu.memory_space<semaphore_mem>>) src(%arg9 : memref<128x64xf32, #tpu.memory_space<vmem>>) dst(%dma_wait3A_70 : memref<10112x64xf32, #tpu.memory_space<vmem_shared>>)
      tpu.yield
    }) : () -> ()
    %sub3A_48 = arith.constant 2 : i32
    %sub3A_49 = arith.subi %select_n3A_12, %sub3A_48 : i32
    %add3A_50 = arith.constant 1 : i32
    %add3A_51 = arith.addi %sub3A_49, %add3A_50 : i32
    %dma_wait3A_52 = arith.constant 0 : i32
    %dma_wait3A_53 = tpu.memref_slice %arg7[%add3A_51, %dma_wait3A_52] : memref<80x128xi32, #tpu.memory_space<vmem>> -> memref<1x128xi32, #tpu.memory_space<vmem>>
    %dma_wait3A_54 = tpu.memref_squeeze %dma_wait3A_53 : memref<1x128xi32, #tpu.memory_space<vmem>> -> memref<128xi32, #tpu.memory_space<vmem>>
    %dma_wait3A_55 = arith.constant 0 : i32
    %dma_wait3A_56 = arith.constant 0 : i32
    %dma_wait3A_57 = tpu.memref_slice %arg11[%dma_wait3A_55, %dma_wait3A_56] : memref<10000x64xf32, #tpu.memory_space<vmem_shared>> -> memref<10000x64xf32, #tpu.memory_space<vmem_shared>>
    tpu.wait_indirect_dma semaphore(%arg14 : memref<!tpu.dma_semaphore, #tpu.memory_space<semaphore_mem>>) src(%dma_wait3A_57 : memref<10000x64xf32, #tpu.memory_space<vmem_shared>>) dst(%arg10 : memref<128x64xf32, #tpu.memory_space<vmem>>)
    "tpu.region"() ({
      %run_scoped3A = tpu.sem_alloc : memref<!tpu.dma_semaphore, #tpu.memory_space<semaphore_mem>>
      %dma_start3A_59 = arith.constant 0 : i32
      %dma_start3A_60 = tpu.memref_slice %arg8[%add3A_51, %dma_start3A_59] : memref<80x128xi32, #tpu.memory_space<vmem>> -> memref<1x128xi32, #tpu.memory_space<vmem>>
      %dma_start3A_61 = tpu.memref_squeeze %dma_start3A_60 : memref<1x128xi32, #tpu.memory_space<vmem>> -> memref<128xi32, #tpu.memory_space<vmem>>
      %dma_start3A_62 = arith.constant 0 : i32
      %dma_start3A_63 = arith.constant 0 : i32
      %dma_start3A_64 = tpu.memref_slice %arg12[%dma_start3A_62, %dma_start3A_63] : memref<10112x64xf32, #tpu.memory_space<vmem_shared>> -> memref<10112x64xf32, #tpu.memory_space<vmem_shared>>
      tpu.enqueue_indirect_dma source(%arg10 : memref<128x64xf32, #tpu.memory_space<vmem>>) target(%dma_start3A_64 : memref<10112x64xf32, #tpu.memory_space<vmem_shared>>) offsets(%dma_start3A_61 : memref<128xi32, #tpu.memory_space<vmem>>) semaphore(%run_scoped3A : memref<!tpu.dma_semaphore, #tpu.memory_space<semaphore_mem>>) {add = true}
      %dma_wait3A_65 = arith.constant 0 : i32
      %dma_wait3A_66 = tpu.memref_slice %arg8[%add3A_51, %dma_wait3A_65] : memref<80x128xi32, #tpu.memory_space<vmem>> -> memref<1x128xi32, #tpu.memory_space<vmem>>
      %dma_wait3A_67 = tpu.memref_squeeze %dma_wait3A_66 : memref<1x128xi32, #tpu.memory_space<vmem>> -> memref<128xi32, #tpu.memory_space<vmem>>
      %dma_wait3A_68 = arith.constant 0 : i32
      %dma_wait3A_69 = arith.constant 0 : i32
      %dma_wait3A_70 = tpu.memref_slice %arg12[%dma_wait3A_68, %dma_wait3A_69] : memref<10112x64xf32, #tpu.memory_space<vmem_shared>> -> memref<10112x64xf32, #tpu.memory_space<vmem_shared>>
      tpu.wait_indirect_dma semaphore(%run_scoped3A : memref<!tpu.dma_semaphore, #tpu.memory_space<semaphore_mem>>) src(%arg10 : memref<128x64xf32, #tpu.memory_space<vmem>>) dst(%dma_wait3A_70 : memref<10112x64xf32, #tpu.memory_space<vmem_shared>>)
      tpu.yield
    }) : () -> ()
    %barrier3A_58 = arith.constant 0 : index
    tpu.barrier barrier_id(%barrier3A_58)
    "tpu.trace_stop"() : () -> ()
    "tpu.trace_start"() <{level = 10 : i32, message = "seg_out"}> : () -> ()
    "tpu.region"() ({
      %run_scoped3A = tpu.sem_alloc : memref<!tpu.dma_semaphore, #tpu.memory_space<semaphore_mem>>
      %dma_start3A_59 = arith.constant 0 : i32
      %dma_start3A_60 = tpu.memref_slice %arg6[%arg0, %mul3A_2, %dma_start3A_59] : memref<2x10112x64xf32, #tpu.memory_space<hbm>> -> memref<1x632x64xf32, #tpu.memory_space<hbm>>
      %dma_start3A_61 = tpu.memref_squeeze %dma_start3A_60 : memref<1x632x64xf32, #tpu.memory_space<hbm>> -> memref<632x64xf32, #tpu.memory_space<hbm>>
      %dma_start3A_62 = arith.constant 0 : i32
      %dma_start3A_63 = tpu.memref_slice %arg12[%mul3A_2, %dma_start3A_62] : memref<10112x64xf32, #tpu.memory_space<vmem_shared>> -> memref<632x64xf32, #tpu.memory_space<vmem_shared>>
      tpu.enqueue_dma source(%dma_start3A_63 : memref<632x64xf32, #tpu.memory_space<vmem_shared>>) target(%dma_start3A_61 : memref<632x64xf32, #tpu.memory_space<hbm>>) target_semaphore(%run_scoped3A : memref<!tpu.dma_semaphore, #tpu.memory_space<semaphore_mem>>)
      %dma_wait3A_64 = arith.constant 0 : i32
      %dma_wait3A_65 = tpu.memref_slice %arg6[%arg0, %mul3A_2, %dma_wait3A_64] : memref<2x10112x64xf32, #tpu.memory_space<hbm>> -> memref<1x632x64xf32, #tpu.memory_space<hbm>>
      %dma_wait3A_66 = tpu.memref_squeeze %dma_wait3A_65 : memref<1x632x64xf32, #tpu.memory_space<hbm>> -> memref<632x64xf32, #tpu.memory_space<hbm>>
      %dma_wait3A_67 = arith.constant 0 : i32
      %dma_wait3A_68 = tpu.memref_slice %arg12[%mul3A_2, %dma_wait3A_67] : memref<10112x64xf32, #tpu.memory_space<vmem_shared>> -> memref<632x64xf32, #tpu.memory_space<vmem_shared>>
      tpu.wait_dma2 semaphore(%run_scoped3A : memref<!tpu.dma_semaphore, #tpu.memory_space<semaphore_mem>>) src(%dma_wait3A_68 : memref<632x64xf32, #tpu.memory_space<vmem_shared>>) dst(%dma_wait3A_66 : memref<632x64xf32, #tpu.memory_space<hbm>>)
      tpu.yield
    }) : () -> ()
    "tpu.trace_stop"() : () -> ()
    return
  }
}

module attributes {stable_mosaic.version = 14 : i64} {
  func.func @_tc_mm_kernel(%arg0: memref<10000x64xf32, #tpu.memory_space<vmem>>, %arg1: memref<64x64xf32, #tpu.memory_space<vmem>>, %arg2: memref<10000x64xf32, #tpu.memory_space<vmem>>) attributes {dimension_semantics = [], scalar_prefetch = 0 : i64, scratch_operands = 0 : i64, tpu.core_type = #tpu.core_type<tc>} {
    %get3A = arith.constant 0 : index
    %get3A_0 = arith.constant 0 : index
    %get3A_1 = vector.load %arg0[%get3A, %get3A_0] : memref<10000x64xf32, #tpu.memory_space<vmem>>, vector<10000x64xf32>
    %get3A_2 = arith.constant 0 : index
    %get3A_3 = arith.constant 0 : index
    %get3A_4 = vector.load %arg1[%get3A_2, %get3A_3] : memref<64x64xf32, #tpu.memory_space<vmem>>, vector<64x64xf32>
    %dot_general3A = arith.constant dense<0.000000e+00> : vector<10000x64xf32>
    %dot_general3A_5 = tpu.matmul %get3A_1, %get3A_4, %dot_general3A {dimension_numbers = #tpu.dot_dimension_numbers<[1], [0], [0], [1], [0, 0, 1, 1], [], []>, transpose_lhs_hint = false} : vector<10000x64xf32>, vector<64x64xf32>, vector<10000x64xf32> -> vector<10000x64xf32>
    %max3A = arith.constant 0.000000e+00 : f32
    %max3A_6 = vector.broadcast %max3A : f32 to vector<10000x64xf32>
    %max3A_7 = arith.maximumf %dot_general3A_5, %max3A_6 : vector<10000x64xf32>
    %swap3A = arith.constant 0 : index
    %swap3A_8 = arith.constant 0 : index
    %swap3A_9 = vector.load %arg2[%swap3A, %swap3A_8] : memref<10000x64xf32, #tpu.memory_space<vmem>>, vector<10000x64xf32>
    tpu.vector_store %arg2[%swap3A, %swap3A_8], %max3A_7 {strides = array<i32>} : memref<10000x64xf32, #tpu.memory_space<vmem>>, vector<10000x64xf32>,
    return
  }
}

module attributes {stable_mosaic.version = 14 : i64} {
  func.func @_tc_add_mm_kernel(%arg0: memref<10000x64xf32, #tpu.memory_space<vmem>>, %arg1: memref<2x10112x64xf32, #tpu.memory_space<vmem>>, %arg2: memref<64x64xf32, #tpu.memory_space<vmem>>, %arg3: memref<10000x64xf32, #tpu.memory_space<vmem>>, %arg4: memref<10000x64xf32, #tpu.memory_space<vmem>>) attributes {dimension_semantics = [], scalar_prefetch = 0 : i64, scratch_operands = 0 : i64, tpu.core_type = #tpu.core_type<tc>} {
    %get3A = arith.constant 0 : index
    %get3A_0 = arith.constant 0 : index
    %get3A_1 = vector.load %arg0[%get3A, %get3A_0] : memref<10000x64xf32, #tpu.memory_space<vmem>>, vector<10000x64xf32>
    %get3A_2 = arith.constant 0 : index
    %get3A_3 = arith.constant 0 : index
    %get3A_4 = arith.constant 0 : index
    %get3A_5 = vector.load %arg1[%get3A_2, %get3A_3, %get3A_4] : memref<2x10112x64xf32, #tpu.memory_space<vmem>>, vector<1x10000x64xf32>
    %get3A_6 = vector.shape_cast %get3A_5 : vector<1x10000x64xf32> to vector<10000x64xf32>
    %add3A = arith.addf %get3A_1, %get3A_6 : vector<10000x64xf32>
    %get3A_7 = arith.constant 1 : index
    %get3A_8 = arith.constant 0 : index
    %get3A_9 = arith.constant 0 : index
    %get3A_10 = vector.load %arg1[%get3A_7, %get3A_8, %get3A_9] : memref<2x10112x64xf32, #tpu.memory_space<vmem>>, vector<1x10000x64xf32>
    %get3A_11 = vector.shape_cast %get3A_10 : vector<1x10000x64xf32> to vector<10000x64xf32>
    %add3A_12 = arith.addf %add3A, %get3A_11 : vector<10000x64xf32>
    %swap3A = arith.constant 0 : index
    %swap3A_13 = arith.constant 0 : index
    %swap3A_14 = vector.load %arg3[%swap3A, %swap3A_13] : memref<10000x64xf32, #tpu.memory_space<vmem>>, vector<10000x64xf32>
    tpu.vector_store %arg3[%swap3A, %swap3A_13], %add3A_12 {strides = array<i32>} : memref<10000x64xf32, #tpu.memory_space<vmem>>, vector<10000x64xf32>,
    %get3A_15 = arith.constant 0 : index
    %get3A_16 = arith.constant 0 : index
    %get3A_17 = vector.load %arg2[%get3A_15, %get3A_16] : memref<64x64xf32, #tpu.memory_space<vmem>>, vector<64x64xf32>
    %dot_general3A = arith.constant dense<0.000000e+00> : vector<10000x64xf32>
    %dot_general3A_18 = tpu.matmul %add3A_12, %get3A_17, %dot_general3A {dimension_numbers = #tpu.dot_dimension_numbers<[1], [0], [0], [1], [0, 0, 1, 1], [], []>, transpose_lhs_hint = false} : vector<10000x64xf32>, vector<64x64xf32>, vector<10000x64xf32> -> vector<10000x64xf32>
    %max3A = arith.constant 0.000000e+00 : f32
    %max3A_19 = vector.broadcast %max3A : f32 to vector<10000x64xf32>
    %max3A_20 = arith.maximumf %dot_general3A_18, %max3A_19 : vector<10000x64xf32>
    %swap3A_21 = arith.constant 0 : index
    %swap3A_22 = arith.constant 0 : index
    %swap3A_23 = vector.load %arg4[%swap3A_21, %swap3A_22] : memref<10000x64xf32, #tpu.memory_space<vmem>>, vector<10000x64xf32>
    tpu.vector_store %arg4[%swap3A_21, %swap3A_22], %max3A_20 {strides = array<i32>} : memref<10000x64xf32, #tpu.memory_space<vmem>>, vector<10000x64xf32>,
    return
  }
}

module attributes {stable_mosaic.version = 14 : i64} {
  func.func @_tc_final_kernel(%arg0: memref<10000x64xf32, #tpu.memory_space<vmem>>, %arg1: memref<10000x64xf32, #tpu.memory_space<vmem>>, %arg2: memref<2x10112x64xf32, #tpu.memory_space<vmem>>, %arg3: memref<10000x128xf32, #tpu.memory_space<vmem>>) attributes {dimension_semantics = [], scalar_prefetch = 0 : i64, scratch_operands = 0 : i64, tpu.core_type = #tpu.core_type<tc>} {
    %get3A = arith.constant 0 : index
    %get3A_0 = arith.constant 0 : index
    %get3A_1 = vector.load %arg0[%get3A, %get3A_0] : memref<10000x64xf32, #tpu.memory_space<vmem>>, vector<10000x64xf32>
    %swap3A = arith.constant 0 : index
    %swap3A_2 = arith.constant 0 : index
    %swap3A_3 = vector.load %arg3[%swap3A, %swap3A_2] : memref<10000x128xf32, #tpu.memory_space<vmem>>, vector<10000x64xf32>
    tpu.vector_store %arg3[%swap3A, %swap3A_2], %get3A_1 {strides = array<i32>} : memref<10000x128xf32, #tpu.memory_space<vmem>>, vector<10000x64xf32>,
    %get3A_4 = arith.constant 0 : index
    %get3A_5 = arith.constant 0 : index
    %get3A_6 = vector.load %arg1[%get3A_4, %get3A_5] : memref<10000x64xf32, #tpu.memory_space<vmem>>, vector<10000x64xf32>
    %get3A_7 = arith.constant 0 : index
    %get3A_8 = arith.constant 0 : index
    %get3A_9 = arith.constant 0 : index
    %get3A_10 = vector.load %arg2[%get3A_7, %get3A_8, %get3A_9] : memref<2x10112x64xf32, #tpu.memory_space<vmem>>, vector<1x10000x64xf32>
    %get3A_11 = vector.shape_cast %get3A_10 : vector<1x10000x64xf32> to vector<10000x64xf32>
    %add3A = arith.addf %get3A_6, %get3A_11 : vector<10000x64xf32>
    %get3A_12 = arith.constant 1 : index
    %get3A_13 = arith.constant 0 : index
    %get3A_14 = arith.constant 0 : index
    %get3A_15 = vector.load %arg2[%get3A_12, %get3A_13, %get3A_14] : memref<2x10112x64xf32, #tpu.memory_space<vmem>>, vector<1x10000x64xf32>
    %get3A_16 = vector.shape_cast %get3A_15 : vector<1x10000x64xf32> to vector<10000x64xf32>
    %add3A_17 = arith.addf %add3A, %get3A_16 : vector<10000x64xf32>
    %swap3A_18 = arith.constant 0 : index
    %swap3A_19 = arith.constant 64 : index
    %swap3A_20 = vector.load %arg3[%swap3A_18, %swap3A_19] : memref<10000x128xf32, #tpu.memory_space<vmem>>, vector<10000x64xf32>
    tpu.vector_store %arg3[%swap3A_18, %swap3A_19], %add3A_17 {strides = array<i32>} : memref<10000x128xf32, #tpu.memory_space<vmem>>, vector<10000x64xf32>,
    return
  }
}

</mosaic_0001>

<sc_bundles>
// kernel: kernel.10.cloned.1.call-start
scs
__scs_entry_jumppad:
0x0: {  	(pc) =	sbr.rel $0x88, $3  }
0x1: {  	(tag) =	ssettag $0x0;
	lr =	simm.s32 $0x1  }
0x2: {  	[smem:$0x3F9D] =	sst lr;
	_ =	strace $0xD0000000  }
0x3: {  	_ = 	snop  }
0x4: {  	_ = 	snop  }
0x5: {  	_ = 	snop  }
0x6: {  	_ = 	snop  }
0x7: {  	_ = 	snop  }
__scs_overlays_trampoline_lowered:
0x8: {  	[smem:$0x3FAC] =	sst s0  }
0x9: {  	[smem:$0x3FAD] =	sst s1  }
0xa: {  	[smem:$0x3FAE] =	sst s2  }
0xb: {  	[smem:$0x3FAF] =	sst s3  }
0xc: {  	[smem:$0x3FB0] =	sst s4  }
0xd: {  	[smem:$0x3FB1] =	sst s5  }
0xe: {  	[smem:$0x3FB2] =	sst s6  }
0xf: {  	[smem:$0x3FB3] =	sst s7  }
0x10: {  	[smem:$0x3FB4] =	sst s8  }
0x11: {  	[smem:$0x3FB5] =	sst s9;
	s0 =	simm.s32 @!p0 $0x0  }
0x12: {  	s1 =	sld [smem:$0x3F9B];
	s0 =	simm.s32 @p0 $0x1  }
0x13: {  	[smem:$0x3FB6] =	sst s0;
	s0 =	simm.s32 @!p1 $0x0  }
0x14: {  	s2 =	sld [smem:$0x3F9A];
	s0 =	simm.s32 @p1 $0x1  }
0x15: {  	[smem:$0x3FB7] =	sst s0;
	s0 =	simm.s32 @!p2 $0x0  }
0x16: {  	s3 =	sld [smem:$0x3FDB];
	s0 =	simm.s32 @p2 $0x1  }
0x17: {  	s4 =	simm.s32 $0x1BF5;
	[smem:$0x3FB9] =	sst s0  }
0x18: {  	s0 =	sld [smem:$0x3F9C];
	_ =	swait.ge [sflag:s4], $0x0  }
0x19: {  	s7 =	sld [smem:$0x3F9D]  }
0x1a: {  	s8 =	sadd.s32 $0xFFFFE003, lr  }
0x1b: {  	s9 =	sadd.s32 $0xFFFFFEF7, lr;
	s5 =	simm.s32 $0xFFFFFFFF;
	p2 =	slt.u32 s8, $0xFFFFF086  }
0x1c: {  	p1 =	slt.u32 s9, $0xF7A;
	s5 =	simm.s32 @!p2 $0x0  }
0x1d: {  	s5 =	simm.s32 @p1 $0x1;
	p0 =	seq.s32 s7, s2  }
0x1e: {  	s7 =	smul.u32 @!p0 $0xF7A, s2;
	p2 =	seq.s32 @!p0 s5, $0x0  }
0x1f: {  	s9 =	smul.u32 $0xF7A, s1;
	s8 =	simm.s32 @!p0 $0x1BF5;
	p2 =	por !p2, p0  }
0x20: {  	[sflag:s8] =	ssyncset.s32 @!p0 $0xFFFFF086;
	s6 =	sadd.s32 @!p0 s3, s7;
	s7 =	simm.s32 @!p0 $0x108  }
0x21: {  	s3 =	sadd.s32 s3, s9;
	s6 =	sadd.s32 @!p0 $0x88, s6;
	s7 =	simm.s32 @p2 $0x1082  }
0x22: {  	[simem:s7], [sflag:s8] =	dma.local @!p0 [hbm:s6], $0xF7A  }
0x23: {  	s9 =	sor.u32 $0xD0000000, s2;
	s6 =	simm.s32 $0x108;
	_ =	swait.ge @!p0 [sflag:s8], $0x0  }
0x24: {  	s3 =	sadd.s32 $0x88, s3;
	s6 =	simm.s32 @!p1 $0x1082;
	[sflag:s4] =	ssyncset.s32 $0xFFFFF086  }
0x25: {  	[simem:s6], [sflag:s4] =	dma.local [hbm:s3], $0xF7A  }
0x26: {  	[smem:$0x3F9D] =	sst s1;
	(tag) =	ssettag s2;
	_ =	strace s9  }
0x27: {  	s1 =	sld [smem:$0x3FAD]  }
0x28: {  	s2 =	sld [smem:$0x3FAE]  }
0x29: {  	s4 =	sld [smem:$0x3FB0]  }
0x2a: {  	p0 =	seq.s32 s5, $0x0;
	s5 =	sld [smem:$0x3FB1]  }
0x2b: {  	s6 =	sld [smem:$0x3FB2]  }
0x2c: {  	s7 =	sld [smem:$0x3FB3]  }
0x2d: {  	s3 =	simm.s32 $0x108;
	s8 =	sld [smem:$0x3FB4]  }
0x2e: {  	s3 =	simm.s32 @!p0 $0x1082;
	s9 =	sld [smem:$0x3FB5]  }
0x2f: {  	lr =	sadd.s32 s0, s3;
	s0 =	sld [smem:$0x3FAC]  }
0x30: {  	s3 =	sld [smem:$0x3FAF]  }
0x31: {  	[smem:$0x3FB8] =	sst s10  }
0x32: {  	s10 =	sld [smem:$0x3FB6];
	_ =	sdelay $0x3  }
0x33: {  	p0 =	seq.s32 s10, $0x1;
	s10 =	sld [smem:$0x3FB8];
	_ =	sdelay $0x3  }
0x34: {  	[smem:$0x3FB8] =	sst s10  }
0x35: {  	s10 =	sld [smem:$0x3FB7];
	_ =	sdelay $0x3  }
0x36: {  	p1 =	seq.s32 s10, $0x1;
	s10 =	sld [smem:$0x3FB8];
	_ =	sdelay $0x3  }
0x37: {  	[smem:$0x3FB8] =	sst s10  }
0x38: {  	s10 =	sld [smem:$0x3FB9]  }
0x39: {  	_ = 	snop;
	(pc) =	sbr.ind lr, $3  }
0x3a: {  	_ = 	snop  }
0x3b: {  	_ = 	snop  }
0x3c: {  	p2 =	seq.s32 s10, $0x1;
	s10 =	sld [smem:$0x3FB8]  }
0x3d: {  	_ =	shalt  }
0x3e: {  	_ =	shalt  }
0x3f: {  	_ =	shalt  }
0x40: {  	_ =	shalt  }
0x41: {  	_ =	shalt  }
0x42: {  	_ =	shalt  }
0x43: {  	_ =	shalt  }
0x44: {  	_ =	shalt  }
0x45: {  	_ =	shalt  }
0x46: {  	_ =	shalt  }
0x47: {  	_ =	shalt  }
0x48: {  	_ =	shalt  }
0x49: {  	_ =	shalt  }
0x4a: {  	_ =	shalt  }
0x4b: {  	_ =	shalt  }
0x4c: {  	_ =	shalt  }
0x4d: {  	_ =	shalt  }
0x4e: {  	_ =	shalt  }
0x4f: {  	_ =	shalt  }
0x50: {  	_ =	shalt  }
0x51: {  	_ =	shalt  }
0x52: {  	_ =	shalt  }
0x53: {  	_ =	shalt  }
0x54: {  	_ =	shalt  }
0x55: {  	_ =	shalt  }
0x56: {  	_ =	shalt  }
0x57: {  	_ =	shalt  }
0x58: {  	_ =	shalt  }
0x59: {  	_ =	shalt  }
0x5a: {  	_ =	shalt  }
0x5b: {  	_ =	shalt  }
0x5c: {  	_ =	shalt  }
0x5d: {  	_ =	shalt  }
0x5e: {  	_ =	shalt  }
0x5f: {  	_ =	shalt  }
0x60: {  	_ =	shalt  }
0x61: {  	_ =	shalt  }
0x62: {  	_ =	shalt  }
0x63: {  	_ =	shalt  }
0x64: {  	_ =	shalt  }
0x65: {  	_ =	shalt  }
0x66: {  	_ =	shalt  }
0x67: {  	_ =	shalt  }
0x68: {  	_ =	shalt  }
0x69: {  	_ =	shalt  }
0x6a: {  	_ =	shalt  }
0x6b: {  	_ =	shalt  }
0x6c: {  	_ =	shalt  }
0x6d: {  	_ =	shalt  }
0x6e: {  	_ =	shalt  }
0x6f: {  	_ =	shalt  }
0x70: {  	_ =	shalt  }
0x71: {  	_ =	shalt  }
0x72: {  	_ =	shalt  }
0x73: {  	_ =	shalt  }
0x74: {  	_ =	shalt  }
0x75: {  	_ =	shalt  }
0x76: {  	_ =	shalt  }
0x77: {  	_ =	shalt  }
0x78: {  	_ =	shalt  }
0x79: {  	_ =	shalt  }
0x7a: {  	_ =	shalt  }
0x7b: {  	_ =	shalt  }
0x7c: {  	_ =	shalt  }
0x7d: {  	_ =	shalt  }
0x7e: {  	_ =	shalt  }
0x7f: {  	_ =	shalt  }
0x80: {  	_ =	shalt  }
0x81: {  	_ =	shalt  }
0x82: {  	_ =	shalt  }
0x83: {  	_ =	shalt  }
0x84: {  	_ =	shalt  }
0x85: {  	_ =	shalt  }
0x86: {  	_ =	shalt  }
0x87: {  	_ =	shalt  }
.Lfunc_end0:
.L_simem_size_0:
called_computation.1_lowered:
.L_overlay_start_0:
0x88: {  	s2 =	sld [smem:$0x3FD9]  }
0x89: {  	s3 =	sld [smem:$0x3FFE];
	_ =	sdelay $0x1  }
0x8a: {  	s1 =	srdreg.scid  }
0x8b: {  	s0 =	sand.u32 $0x1, s1  }
0x8c: {  	s17 =	sshll.u32 s0, $0xA;
	s2 =	sadd.s32 s3, s2  }
0x8d: {  	s2 =	sadd.s32 s2, s17  }
0x8e: {  	[smem:$0x3FC4] =	sst s2  }
0x8f: {  	_ = 	snop  }
0x90: {  	s2 =	sld [smem:$0x3FD0];
	(tm) =	ssettm $0x1  }
0x91: {  	s18 =	sld [smem:$0x3FFB];
	_ =	sdelay $0x3  }
0x92: {  	_ =	strace s18  }
0x93: {  	s3 =	sld [smem:$0x3FFC];
	_ =	sdelay $0x3  }
0x94: {  	_ =	strace s3  }
0x95: {  	s3 =	sld [smem:$0x3FFD];
	_ =	sdelay $0x3  }
0x96: {  	_ =	strace s3  }
0x97: {  	_ =	strace $0x8FFFFFFF  }
0x98: {  	s19 =	sld [smem:$0x3FDB];
	_ =	sdelay $0x1  }
0x99: {  	s4 =	simm.s32 $_scs_section_size  }
0x9a: {  	s5 =	simm.s32 $_size__tile_overlayer_lowered;
	s6 =	simm.s32 $_tile_overlayer_lowered  }
0x9b: {  	s22 =	simm.s32 $0x1BFF;
	s21 =	sshll.u32 s6, $0x1;
	s3 =	sadd.s32 s4, s19  }
0x9c: {  	s7 =	simm.s32 $0x0;
	s20 =	sshll.u32 s5, $0x1;
	s5 =	sadd.s32 s21, s3  }
0x9d: {  	[timem:s7], [sflag:s22] =	dma.local [hbm:s5], s20  }
0x9e: {  	_ =	swait.ge [sflag:s22], s20  }
0x9f: {  	s4 =	ssub.s32 $0x0, s20;
	[sflag:s22] =	ssyncset.done $0x0  }
0xa0: {  	[sflag:s22] =	ssyncadd.s32 s4;
	_ =	sdelay $0x1  }
0xa1: {  	s23 =	simm.s32 $0x1B8B  }
0xa2: {  	_ =	swait.ge [sflag:s23], $0x1  }
0xa3: {  	[sflag:s23] =	ssyncset.done $0x0  }
0xa4: {  	s25 =	simm.s32 $0x1B8E;
	s24 =	sld [smem:$0x3FFE];
	[sflag:s23] =	ssyncadd.s32 $0xFFFFFFFF  }
0xa5: {  	s26 =	simm.s32 $execute0_lowered;
	[smem:$0x3FD2] =	sst s25  }
0xa6: {  	s5 =	sshll.u32 s26, $0x1;
	_ =	strace $0x8000004C;
	[dreg:$0x1] =	wrdreg $0xFFFFFFFF  }
0xa7: {  	s28 =	simm.s32 $_size_execute0_lowered;
	s3 =	sadd.s32 s3, s5;
	[dreg:$0x0] =	wrdreg $0x0  }
0xa8: {  	s5 =	sshll.u32 s28, $0x1;
	[dreg:$0x2] =	wrdreg s3  }
0xa9: {  	[dreg:$0x3] =	wrdreg s5  }
0xaa: {  	[dreg:$0x4] =	wrdreg $0xC0  }
0xab: {  	_ =	task [dreg:s7], $0x5FFFF  }
0xac: {  	[dreg:$0x1] =	wrdreg $0xFFFFFFFF  }
0xad: {  	[dreg:$0x0] =	wrdreg $0x60  }
0xae: {  	[dreg:$0x2] =	wrdreg s24  }
0xaf: {  	[dreg:$0x3] =	wrdreg s2  }
0xb0: {  	[dreg:$0x4] =	wrdreg $0x12C400  }
0xb1: {  	[dreg:$0x5] =	wrdreg $0x90000  }
0xb2: {  	[dreg:$0x6] =	wrdreg $0x9  }
0xb3: {  	_ =	task.clear_ibuf [dreg:s7], $0x7FFFF;
	_ =	strace $0x9000004C  }
0xb4: {  	s29 =	simm.s32 $0x9;
	_ =	strace $0x80000051  }
0xb5: {  	_ =	swait.ge [sflag:s29], $0x1  }
0xb6: {  	[sflag:s29] =	ssyncadd.s32 $0xFFFFFFFF  }
0xb7: {  	_ =	strace $0x90000051  }
0xb8: {  	_ =	sfence  }
0xb9: {  	s30 =	sld [smem:$0x0];
	_ =	sdelay $0x2  }
0xba: {  	s31 =	sshll.u32 s1, $0xD;
	s1 =	sshrl.u32 s1, $0x2  }
0xbb: {  	s3 =	sand.u32 $0x4000, s31;
	s1 =	sadd.s32 s1, s30  }
0xbc: {  	s0 =	sor.u32 s3, s0;
	s1 =	sshll.u32 s1, $0x11  }
0xbd: {  	s0 =	sor.u32 s1, s0  }
0xbe: {  	s0 =	sadd.s32 $0x8F2B, s0  }
0xbf: {  	[sflag:s0] =	ssyncadd.remote.s32 $0x1  }
0xc0: {  	_ =	sfence.sel $0xFFFF  }
0xc1: {  	[dreg:$0x0] =	wrdreg $0xFFFFFFFF;
	(pc) =	sbr.abs _section_cstart, $3  }
0xc2: {  	[dreg:$0x1] =	wrdreg $0xFFFFFFFF  }
0xc3: {  	_ =	task.clear_ibuf [dreg:s7], $0x2FFFF;
	_ =	strace $0x9FFFFFFF  }
0xc4: {  	(tm) =	ssettm $0x7FFFFFFF  }
0xc5: {  	_ =	shalt  }
tec
execute0_lowered:
.L_overlay_start_1:
0x0: {  	(tag) =	ssettag $0x1  }
0x1: {  	s7 =	rddreg [dreg:$0x0]  }
0x2: {  	s5 =	rddreg [dreg:$0x1]  }
0x3: {  	s2 =	rddreg [dreg:$0x2]  }
0x4: {  	s3 =	rddreg [dreg:$0x3]  }
0x5: {  	s0 =	rddreg [dreg:$0x4];
	s1 =	stileid.u32  }
0x6: {  	s6 =	srdreg.scid;
	s4 =	simm.s32 $0x0;
	s17 =	simm.s32 $0x2800  }
0x7: {  	s18 =	simm.s32 $0x80;
	s19 =	simm.s32 $0x5000;
	s20 =	simm.s32 $0x7000  }
0x8: {  	s21 =	simm.s32 $0x1;
	s22 =	simm.s32 $0x2;
	s23 =	simm.s32 $0x4F00  }
0x9: {  	s24 =	simm.s32 $0x4F80;
	s25 =	simm.s32 $0x0;
	s8 =	smul.u32 $0x9E00, s1  }
0xa: {  	s6 =	sand.u32 $0x1, s6;
	[smem:$0x7FF] =	sst s4;
	s15 =	sadd.s32 $0x94200, s3  }
0xb: {  	s31 =	sshll.u32 s1, $0x6;
	p0 =	seq.s32 s1, $0xF;
	s9 =	sshll.u32 s6, $0x4  }
0xc: {  	s10 =	smul.u32 $0x9E000, s6;
	_ =	strace $0x8000004D;
	s6 =	ssub.s32 $0x2, s6  }
0xd: {  	s15 =	sshrl.u32 @p0 s15, $0x3;
	s9 =	sor.u32 s1, s9;
	s11 =	sshrl.u32 s8, $0x3  }
0xe: {  	s13 =	sshrl.u32 s6, $0x1;
	s14 =	sadd.s32 s8, s2;
	s16 =	sadd.s32 s8, s3  }
0xf: {  	s9 =	smul.u32 $0x500, s9;
	s10 =	sadd.s32 s8, s10;
	s12 =	sadd.s32 s11, s7  }
0x10: {  	s13 =	ssub.s32 s6, s13;
	s5 =	sadd.s32 s5, s11;
	s16 =	sshrl.u32 @!p0 s16, $0x3  }
0x11: {  	s10 =	sshrl.u32 s10, $0x3;
	s6 =	sadd.s32 $0x1400, s12;
	s11 =	smax.u32 s13, $0x1  }
0x12: {  	s12 =	sor.u32 $0x1C03, s31;
	s13 =	sshrl.u32 s14, $0x3;
	s14 =	simm.s32 $0x3  }
0x13: {  	s9 =	sadd.s32 s9, s7;
	s10 =	sadd.s32 s10, s7;
	s7 =	sadd.s32 $0x13C40, s7  }
0x14: {  	s8 =	sadd.s32 $0x1EE00, s9;
	s9 =	sadd.s32 $0x14E00, s9;
	s10 =	sadd.s32 $0x28E00, s10  }
.LBB2_1:
0x15: {  	_ =	strace $0x8000004E  }
0x16: {  	[spmem:s13], [sflag:s12] =	dma.local [hbm:s5], $0x13C0  }
0x17: {  	_ =	swait.ge [sflag:s14], $0x13C0  }
0x18: {  	[sflag:s14] =	ssyncset.done $0x0  }
0x19: {  	s26 =	simm.s32 @p0 $0x3;
	[sflag:s14] =	ssyncadd.s32 $0xFFFFEC40  }
0x1a: {  	[spmem:s15], [sflag:s12] =	dma.local @p0 [hbm:s7], $0x1040  }
0x1b: {  	_ =	swait.ge @p0 [sflag:s26], $0x1040  }
0x1c: {  	[sflag:s26] =	ssyncset.done @p0 $0x0  }
0x1d: {  	[sflag:s26] =	ssyncadd.s32 @p0 $0xFFFFEFC0;
	s26 =	simm.s32 @!p0 $0x3  }
0x1e: {  	[spmem:s16], [sflag:s12] =	dma.local @!p0 [hbm:s6], $0x13C0  }
0x1f: {  	_ =	swait.ge @!p0 [sflag:s26], $0x13C0  }
0x20: {  	[sflag:s26] =	ssyncset.done @!p0 $0x0  }
0x21: {  	[sflag:s26] =	ssyncadd.s32 @!p0 $0xFFFFEC40  }
0x22: {  	[tilespmem:s4], [sflag:$0x3] =	stream.linear.gather [hbm4b:s8+s4], $0x2800, $0x200038;
	[tilespmem:$0x1CA40] =	vst v63  }
0x23: {  	_ =	swait.ge [sflag:s14], $0x2800  }
0x24: {  	[sflag:s14] =	ssyncset.done $0x0  }
0x25: {  	[sflag:s14] =	ssyncadd.s32 $0xFFFFD800  }
0x26: {  	[tilespmem:s17], [sflag:$0x3] =	stream.linear.gather [hbm4b:s9+s4], $0x2800, $0x200038;
	[tilespmem:$0x1CA40] =	vst v63  }
0x27: {  	_ =	swait.ge [sflag:s14], $0x2800  }
0x28: {  	[sflag:s14] =	ssyncset.done $0x0  }
0x29: {  	[sflag:s14] =	ssyncadd.s32 $0xFFFFD800  }
0x2a: {  	[bflag:$0x0] =	sbarrier.arrive $0xFFFF  }
0x2b: {  	_ =	strace $0x9000004E  }
0x2c: {  	[tilespmem:s19], [sflag:$0x1] =	stream.indirect.gather [spmem:s3], $0x40, s4, s18, $0xb8;
	[tilespmem:$0x1CA40] =	vst v63  }
0x2d: {  	_ = 	snop  }
0x2e: {  	[tilespmem:s20], [sflag:$0x2] =	stream.indirect.gather [spmem:s3], $0x40, s18, s18, $0xb8;
	[tilespmem:$0x1CA40] =	vst v63  }
0x2f: {  	_ =	strace $0x8000004F  }
0x30: {  	_ =	swait.ge [sflag:s21], $0x2000  }
0x31: {  	[sflag:s21] =	ssyncset.done $0x0  }
0x32: {  	s29 =	simm.s32 $0x2800;
	[sflag:s21] =	ssyncadd.s32 $0xFFFFE000  }
0x33: {  	[spmem:s2] =	stream.indirect.scatter.add.f32 [tilespmem:s19], [sflag:$0x3], $0x40, s29, s18, $0x2000b8;
	[tilespmem:$0x1CA40] =	vst v63  }
0x34: {  	_ =	swait.ge [sflag:s14], $0x2000  }
0x35: {  	[sflag:s14] =	ssyncset.done $0x0  }
0x36: {  	s30 =	simm.s32 $0x100;
	[sflag:s14] =	ssyncadd.s32 $0xFFFFE000  }
0x37: {  	[tilespmem:s19], [sflag:$0x1] =	stream.indirect.gather [spmem:s3], $0x40, s30, s18, $0x2000b8;
	[tilespmem:$0x1CA40] =	vst v63  }
0x38: {  	_ =	swait.ge [sflag:s22], $0x2000  }
0x39: {  	[sflag:s22] =	ssyncset.done $0x0  }
0x3a: {  	s31 =	simm.s32 $0x2880;
	[sflag:s22] =	ssyncadd.s32 $0xFFFFE000  }
0x3b: {  	[spmem:s2] =	stream.indirect.scatter.add.f32 [tilespmem:s20], [sflag:$0x3], $0x40, s31, s18, $0x2000b8;
	[tilespmem:$0x1CA40] =	vst v63  }
0x3c: {  	_ =	swait.ge [sflag:s14], $0x2000  }
0x3d: {  	[sflag:s14] =	ssyncset.done $0x0  }
0x3e: {  	s28 =	simm.s32 $0x180;
	s26 =	simm.s32 $0x400;
	[sflag:s14] =	ssyncadd.s32 $0xFFFFE000  }
.LBB2_2:
0x3f: {  	[tilespmem:s20], [sflag:$0x2] =	stream.indirect.gather [spmem:s3], $0x40, s28, s18, $0x2000b8;
	[tilespmem:$0x1CA40] =	vst v63  }
0x40: {  	s28 =	smov.u32 s26  }
0x41: {  	p1 =	sne.s32 s26, $0x9800;
	s26 =	sadd.s32 $0x400, s26;
	_ =	swait.ge [sflag:s21], $0x2000  }
0x42: {  	s28 =	sshra.s32 s28, $0x2;
	[sflag:s21] =	ssyncset.done $0x0  }
0x43: {  	s29 =	sadd.s32 $0x2800, s28;
	[sflag:s21] =	ssyncadd.s32 $0xFFFFE000  }
0x44: {  	[spmem:s2] =	stream.indirect.scatter.add.f32 [tilespmem:s19], [sflag:$0x3], $0x40, s29, s18, $0x2000b8;
	[tilespmem:$0x1CA40] =	vst v63  }
0x45: {  	_ =	swait.ge [sflag:s14], $0x2000  }
0x46: {  	[sflag:s14] =	ssyncset.done $0x0  }
0x47: {  	s29 =	sadd.s32 $0x100, s28;
	[sflag:s14] =	ssyncadd.s32 $0xFFFFE000  }
0x48: {  	[tilespmem:s19], [sflag:$0x1] =	stream.indirect.gather [spmem:s3], $0x40, s29, s18, $0x2000b8;
	[tilespmem:$0x1CA40] =	vst v63  }
0x49: {  	_ =	swait.ge [sflag:s22], $0x2000  }
0x4a: {  	[sflag:s22] =	ssyncset.done $0x0  }
.Ltmp0:
0x4b: {  	s29 =	sadd.s32 $0x2880, s28;
	[sflag:s22] =	ssyncadd.s32 $0xFFFFE000;
	(pc) =	sbr.rel @p1 .LBB2_2-.Ltmp0, $4  }
0x4c: {  	[spmem:s2] =	stream.indirect.scatter.add.f32 [tilespmem:s20], [sflag:$0x3], $0x40, s29, s18, $0x2000b8;
	[tilespmem:$0x1CA40] =	vst v63  }
0x4d: {  	_ =	swait.ge [sflag:s14], $0x2000  }
0x4e: {  	[sflag:s14] =	ssyncset.done $0x0  }
0x4f: {  	s28 =	sadd.s32 $0x180, s28;
	[sflag:s14] =	ssyncadd.s32 $0xFFFFE000  }
0x50: {  	[tilespmem:s20], [sflag:$0x2] =	stream.indirect.gather [spmem:s3], $0x40, s28, s18, $0x2000b8;
	[tilespmem:$0x1CA40] =	vst v63  }
0x51: {  	_ =	swait.ge [sflag:s21], $0x2000  }
0x52: {  	[sflag:s21] =	ssyncset.done $0x0  }
0x53: {  	[sflag:s21] =	ssyncadd.s32 $0xFFFFE000  }
0x54: {  	[spmem:s2] =	stream.indirect.scatter.add.f32 [tilespmem:s19], [sflag:$0x3], $0x40, s23, s18, $0x2000b8;
	[tilespmem:$0x1CA40] =	vst v63  }
0x55: {  	_ =	swait.ge [sflag:s14], $0x2000  }
0x56: {  	[sflag:s14] =	ssyncset.done $0x0  }
0x57: {  	[sflag:s14] =	ssyncadd.s32 $0xFFFFE000  }
0x58: {  	_ =	swait.ge [sflag:s22], $0x2000  }
0x59: {  	[sflag:s22] =	ssyncset.done $0x0  }
0x5a: {  	[sflag:s22] =	ssyncadd.s32 $0xFFFFE000  }
0x5b: {  	[spmem:s2] =	stream.indirect.scatter.add.f32 [tilespmem:s20], [sflag:$0x3], $0x40, s24, s18, $0x2000b8;
	[tilespmem:$0x1CA40] =	vst v63  }
0x5c: {  	_ =	swait.ge [sflag:s14], $0x2000  }
0x5d: {  	[sflag:s14] =	ssyncset.done $0x0  }
0x5e: {  	[sflag:s14] =	ssyncadd.s32 $0xFFFFE000  }
0x5f: {  	[bflag:$0x0] =	sbarrier.arrive $0xFFFF  }
0x60: {  	s25 =	sadd.s32 $0x1, s25;
	_ =	strace $0x9000004F  }
0x61: {  	p1 =	sne.s32 s25, s11;
	_ =	strace $0x80000050  }
0x62: {  	[hbm:s10], [sflag:s12] =	dma.local [spmem:s13], $0x13C0  }
.Ltmp1:
0x63: {  	_ = 	snop;
	(pc) =	sbr.rel @p1 .LBB2_1-.Ltmp1, $4  }
0x64: {  	_ =	swait.ge [sflag:s14], $0x13C0  }
0x65: {  	[sflag:s14] =	ssyncset.done $0x0  }
0x66: {  	[sflag:s14] =	ssyncadd.s32 $0xFFFFEC40  }
0x67: {  	_ =	strace $0x90000050  }
0x68: {  	_ =	sfence.sel $0x180000  }
0x69: {  	[bflag:$0x0] =	sbarrier.arrive $0xFFFF  }
0x6a: {  	p0 =	sne.s32 s1, $0x0;
	_ =	strace $0x9000004D  }
0x6b: {  	s0 =	sadd.s32 @!p0 $0x100000, s0;
	[bflag:$0x2] =	sbarrier.arrive $0xFFFF  }
0x6c: {  	[sflag:s0] =	ssyncadd.tile.s32 @!p0 $0x1;
	_ =	shalt  }
.Lfunc_end2:
_tile_overlayer_lowered:
.L_overlay_start_2:
0x6d: {  	(tag) =	ssettag $0x2  }
0x6e: {  	s0 =	rddreg [dreg:$0x0];
	s2 =	stileid.u32  }
0x6f: {  	s1 =	rddreg [dreg:$0x1];
	p0 =	sne.s32 s2, $0x0  }
0x70: {  	s3 =	rddreg [dreg:$0x2];
	[bflag:$0x3] =	sbarrier.arrive $0xFFFF;
	s2 =	simm.s32 @!p0 $0x1C03  }
0x71: {  	[timem:s3], [sflag:s2] =	dma.local @!p0 [hbm:s0], s1  }
0x72: {  	s0 =	simm.s32 @!p0 $0x3  }
0x73: {  	_ =	swait.ge @!p0 [sflag:s0], s1  }
0x74: {  	s1 =	ssub.s32 @!p0 $0x0, s1;
	[sflag:s0] =	ssyncset.done @!p0 $0x0  }
0x75: {  	[sflag:s0] =	ssyncadd.s32 @!p0 s1  }
0x76: {  	[bflag:$0x3] =	sbarrier.arrive $0xFFFF  }
0x77: {  	_ =	shalt  }

// kernel: kernel.7.cloned.1.call-start
scs
__scs_entry_jumppad:
0x0: {  	(pc) =	sbr.rel $0x88, $3  }
0x1: {  	(tag) =	ssettag $0x0;
	lr =	simm.s32 $0x1  }
0x2: {  	[smem:$0x3F9D] =	sst lr;
	_ =	strace $0xD0000000  }
0x3: {  	_ = 	snop  }
0x4: {  	_ = 	snop  }
0x5: {  	_ = 	snop  }
0x6: {  	_ = 	snop  }
0x7: {  	_ = 	snop  }
__scs_overlays_trampoline_lowered:
0x8: {  	[smem:$0x3FAC] =	sst s0  }
0x9: {  	[smem:$0x3FAD] =	sst s1  }
0xa: {  	[smem:$0x3FAE] =	sst s2  }
0xb: {  	[smem:$0x3FAF] =	sst s3  }
0xc: {  	[smem:$0x3FB0] =	sst s4  }
0xd: {  	[smem:$0x3FB1] =	sst s5  }
0xe: {  	[smem:$0x3FB2] =	sst s6  }
0xf: {  	[smem:$0x3FB3] =	sst s7  }
0x10: {  	[smem:$0x3FB4] =	sst s8  }
0x11: {  	[smem:$0x3FB5] =	sst s9;
	s0 =	simm.s32 @!p0 $0x0  }
0x12: {  	s1 =	sld [smem:$0x3F9B];
	s0 =	simm.s32 @p0 $0x1  }
0x13: {  	[smem:$0x3FB6] =	sst s0;
	s0 =	simm.s32 @!p1 $0x0  }
0x14: {  	s2 =	sld [smem:$0x3F9A];
	s0 =	simm.s32 @p1 $0x1  }
0x15: {  	[smem:$0x3FB7] =	sst s0;
	s0 =	simm.s32 @!p2 $0x0  }
0x16: {  	s3 =	sld [smem:$0x3FDB];
	s0 =	simm.s32 @p2 $0x1  }
0x17: {  	s4 =	simm.s32 $0x1BF5;
	[smem:$0x3FB9] =	sst s0  }
0x18: {  	s0 =	sld [smem:$0x3F9C];
	_ =	swait.ge [sflag:s4], $0x0  }
0x19: {  	s7 =	sld [smem:$0x3F9D]  }
0x1a: {  	s8 =	sadd.s32 $0xFFFFE003, lr  }
0x1b: {  	s9 =	sadd.s32 $0xFFFFFEF7, lr;
	s5 =	simm.s32 $0xFFFFFFFF;
	p2 =	slt.u32 s8, $0xFFFFF086  }
0x1c: {  	p1 =	slt.u32 s9, $0xF7A;
	s5 =	simm.s32 @!p2 $0x0  }
0x1d: {  	s5 =	simm.s32 @p1 $0x1;
	p0 =	seq.s32 s7, s2  }
0x1e: {  	s7 =	smul.u32 @!p0 $0xF7A, s2;
	p2 =	seq.s32 @!p0 s5, $0x0  }
0x1f: {  	s9 =	smul.u32 $0xF7A, s1;
	s8 =	simm.s32 @!p0 $0x1BF5;
	p2 =	por !p2, p0  }
0x20: {  	[sflag:s8] =	ssyncset.s32 @!p0 $0xFFFFF086;
	s6 =	sadd.s32 @!p0 s3, s7;
	s7 =	simm.s32 @!p0 $0x108  }
0x21: {  	s3 =	sadd.s32 s3, s9;
	s6 =	sadd.s32 @!p0 $0x88, s6;
	s7 =	simm.s32 @p2 $0x1082  }
0x22: {  	[simem:s7], [sflag:s8] =	dma.local @!p0 [hbm:s6], $0xF7A  }
0x23: {  	s9 =	sor.u32 $0xD0000000, s2;
	s6 =	simm.s32 $0x108;
	_ =	swait.ge @!p0 [sflag:s8], $0x0  }
0x24: {  	s3 =	sadd.s32 $0x88, s3;
	s6 =	simm.s32 @!p1 $0x1082;
	[sflag:s4] =	ssyncset.s32 $0xFFFFF086  }
0x25: {  	[simem:s6], [sflag:s4] =	dma.local [hbm:s3], $0xF7A  }
0x26: {  	[smem:$0x3F9D] =	sst s1;
	(tag) =	ssettag s2;
	_ =	strace s9  }
0x27: {  	s1 =	sld [smem:$0x3FAD]  }
0x28: {  	s2 =	sld [smem:$0x3FAE]  }
0x29: {  	s4 =	sld [smem:$0x3FB0]  }
0x2a: {  	p0 =	seq.s32 s5, $0x0;
	s5 =	sld [smem:$0x3FB1]  }
0x2b: {  	s6 =	sld [smem:$0x3FB2]  }
0x2c: {  	s7 =	sld [smem:$0x3FB3]  }
0x2d: {  	s3 =	simm.s32 $0x108;
	s8 =	sld [smem:$0x3FB4]  }
0x2e: {  	s3 =	simm.s32 @!p0 $0x1082;
	s9 =	sld [smem:$0x3FB5]  }
0x2f: {  	lr =	sadd.s32 s0, s3;
	s0 =	sld [smem:$0x3FAC]  }
0x30: {  	s3 =	sld [smem:$0x3FAF]  }
0x31: {  	[smem:$0x3FB8] =	sst s10  }
0x32: {  	s10 =	sld [smem:$0x3FB6];
	_ =	sdelay $0x3  }
0x33: {  	p0 =	seq.s32 s10, $0x1;
	s10 =	sld [smem:$0x3FB8];
	_ =	sdelay $0x3  }
0x34: {  	[smem:$0x3FB8] =	sst s10  }
0x35: {  	s10 =	sld [smem:$0x3FB7];
	_ =	sdelay $0x3  }
0x36: {  	p1 =	seq.s32 s10, $0x1;
	s10 =	sld [smem:$0x3FB8];
	_ =	sdelay $0x3  }
0x37: {  	[smem:$0x3FB8] =	sst s10  }
0x38: {  	s10 =	sld [smem:$0x3FB9]  }
0x39: {  	_ = 	snop;
	(pc) =	sbr.ind lr, $3  }
0x3a: {  	_ = 	snop  }
0x3b: {  	_ = 	snop  }
0x3c: {  	p2 =	seq.s32 s10, $0x1;
	s10 =	sld [smem:$0x3FB8]  }
0x3d: {  	_ =	shalt  }
0x3e: {  	_ =	shalt  }
0x3f: {  	_ =	shalt  }
0x40: {  	_ =	shalt  }
0x41: {  	_ =	shalt  }
0x42: {  	_ =	shalt  }
0x43: {  	_ =	shalt  }
0x44: {  	_ =	shalt  }
0x45: {  	_ =	shalt  }
0x46: {  	_ =	shalt  }
0x47: {  	_ =	shalt  }
0x48: {  	_ =	shalt  }
0x49: {  	_ =	shalt  }
0x4a: {  	_ =	shalt  }
0x4b: {  	_ =	shalt  }
0x4c: {  	_ =	shalt  }
0x4d: {  	_ =	shalt  }
0x4e: {  	_ =	shalt  }
0x4f: {  	_ =	shalt  }
0x50: {  	_ =	shalt  }
0x51: {  	_ =	shalt  }
0x52: {  	_ =	shalt  }
0x53: {  	_ =	shalt  }
0x54: {  	_ =	shalt  }
0x55: {  	_ =	shalt  }
0x56: {  	_ =	shalt  }
0x57: {  	_ =	shalt  }
0x58: {  	_ =	shalt  }
0x59: {  	_ =	shalt  }
0x5a: {  	_ =	shalt  }
0x5b: {  	_ =	shalt  }
0x5c: {  	_ =	shalt  }
0x5d: {  	_ =	shalt  }
0x5e: {  	_ =	shalt  }
0x5f: {  	_ =	shalt  }
0x60: {  	_ =	shalt  }
0x61: {  	_ =	shalt  }
0x62: {  	_ =	shalt  }
0x63: {  	_ =	shalt  }
0x64: {  	_ =	shalt  }
0x65: {  	_ =	shalt  }
0x66: {  	_ =	shalt  }
0x67: {  	_ =	shalt  }
0x68: {  	_ =	shalt  }
0x69: {  	_ =	shalt  }
0x6a: {  	_ =	shalt  }
0x6b: {  	_ =	shalt  }
0x6c: {  	_ =	shalt  }
0x6d: {  	_ =	shalt  }
0x6e: {  	_ =	shalt  }
0x6f: {  	_ =	shalt  }
0x70: {  	_ =	shalt  }
0x71: {  	_ =	shalt  }
0x72: {  	_ =	shalt  }
0x73: {  	_ =	shalt  }
0x74: {  	_ =	shalt  }
0x75: {  	_ =	shalt  }
0x76: {  	_ =	shalt  }
0x77: {  	_ =	shalt  }
0x78: {  	_ =	shalt  }
0x79: {  	_ =	shalt  }
0x7a: {  	_ =	shalt  }
0x7b: {  	_ =	shalt  }
0x7c: {  	_ =	shalt  }
0x7d: {  	_ =	shalt  }
0x7e: {  	_ =	shalt  }
0x7f: {  	_ =	shalt  }
0x80: {  	_ =	shalt  }
0x81: {  	_ =	shalt  }
0x82: {  	_ =	shalt  }
0x83: {  	_ =	shalt  }
0x84: {  	_ =	shalt  }
0x85: {  	_ =	shalt  }
0x86: {  	_ =	shalt  }
0x87: {  	_ =	shalt  }
.Lfunc_end0:
.L_simem_size_0:
called_computation_lowered:
.L_overlay_start_0:
0x88: {  	s2 =	sld [smem:$0x3FD9]  }
0x89: {  	s3 =	sld [smem:$0x3FFE];
	_ =	sdelay $0x1  }
0x8a: {  	s1 =	srdreg.scid  }
0x8b: {  	s0 =	sand.u32 $0x1, s1  }
0x8c: {  	s17 =	sshll.u32 s0, $0xA;
	s2 =	sadd.s32 s3, s2  }
0x8d: {  	s2 =	sadd.s32 s2, s17  }
0x8e: {  	[smem:$0x3FC4] =	sst s2  }
0x8f: {  	_ = 	snop  }
0x90: {  	s2 =	sld [smem:$0x3FD0];
	(tm) =	ssettm $0x1  }
0x91: {  	s18 =	sld [smem:$0x3FFB];
	_ =	sdelay $0x3  }
0x92: {  	_ =	strace s18  }
0x93: {  	s3 =	sld [smem:$0x3FFC];
	_ =	sdelay $0x3  }
0x94: {  	_ =	strace s3  }
0x95: {  	s3 =	sld [smem:$0x3FFD];
	_ =	sdelay $0x3  }
0x96: {  	_ =	strace s3  }
0x97: {  	_ =	strace $0x8FFFFFFF  }
0x98: {  	s19 =	sld [smem:$0x3FDB];
	_ =	sdelay $0x1  }
0x99: {  	s4 =	simm.s32 $_scs_section_size  }
0x9a: {  	s5 =	simm.s32 $_size__tile_overlayer_lowered;
	s6 =	simm.s32 $_tile_overlayer_lowered  }
0x9b: {  	s22 =	simm.s32 $0x1BFF;
	s21 =	sshll.u32 s6, $0x1;
	s3 =	sadd.s32 s4, s19  }
0x9c: {  	s7 =	simm.s32 $0x0;
	s20 =	sshll.u32 s5, $0x1;
	s5 =	sadd.s32 s21, s3  }
0x9d: {  	[timem:s7], [sflag:s22] =	dma.local [hbm:s5], s20  }
0x9e: {  	_ =	swait.ge [sflag:s22], s20  }
0x9f: {  	s4 =	ssub.s32 $0x0, s20;
	[sflag:s22] =	ssyncset.done $0x0  }
0xa0: {  	[sflag:s22] =	ssyncadd.s32 s4;
	_ =	sdelay $0x1  }
0xa1: {  	s23 =	simm.s32 $0x1B8B  }
0xa2: {  	_ =	swait.ge [sflag:s23], $0x1  }
0xa3: {  	[sflag:s23] =	ssyncset.done $0x0  }
0xa4: {  	s25 =	simm.s32 $0x1B8E;
	s24 =	sld [smem:$0x3FFE];
	[sflag:s23] =	ssyncadd.s32 $0xFFFFFFFF  }
0xa5: {  	s26 =	simm.s32 $execute0_lowered;
	[smem:$0x3FD2] =	sst s25  }
0xa6: {  	s5 =	sshll.u32 s26, $0x1;
	_ =	strace $0x80000046;
	[dreg:$0x1] =	wrdreg $0xFFFFFFFF  }
0xa7: {  	s28 =	simm.s32 $_size_execute0_lowered;
	s3 =	sadd.s32 s3, s5;
	[dreg:$0x0] =	wrdreg $0x0  }
0xa8: {  	s5 =	sshll.u32 s28, $0x1;
	[dreg:$0x2] =	wrdreg s3  }
0xa9: {  	[dreg:$0x3] =	wrdreg s5  }
0xaa: {  	[dreg:$0x4] =	wrdreg $0xC0  }
0xab: {  	_ =	task [dreg:s7], $0x5FFFF  }
0xac: {  	[dreg:$0x1] =	wrdreg $0xFFFFFFFF  }
0xad: {  	[dreg:$0x0] =	wrdreg $0x60  }
0xae: {  	[dreg:$0x2] =	wrdreg s24  }
0xaf: {  	[dreg:$0x3] =	wrdreg s2  }
0xb0: {  	[dreg:$0x4] =	wrdreg $0x12C400  }
0xb1: {  	[dreg:$0x5] =	wrdreg $0x90000  }
0xb2: {  	[dreg:$0x6] =	wrdreg $0x9  }
0xb3: {  	_ =	task.clear_ibuf [dreg:s7], $0x7FFFF;
	_ =	strace $0x90000046  }
0xb4: {  	s29 =	simm.s32 $0x9;
	_ =	strace $0x8000004B  }
0xb5: {  	_ =	swait.ge [sflag:s29], $0x1  }
0xb6: {  	[sflag:s29] =	ssyncadd.s32 $0xFFFFFFFF  }
0xb7: {  	_ =	strace $0x9000004B  }
0xb8: {  	_ =	sfence  }
0xb9: {  	s30 =	sld [smem:$0x0];
	_ =	sdelay $0x2  }
0xba: {  	s31 =	sshll.u32 s1, $0xD;
	s1 =	sshrl.u32 s1, $0x2  }
0xbb: {  	s3 =	sand.u32 $0x4000, s31;
	s1 =	sadd.s32 s1, s30  }
0xbc: {  	s0 =	sor.u32 s3, s0;
	s1 =	sshll.u32 s1, $0x11  }
0xbd: {  	s0 =	sor.u32 s1, s0  }
0xbe: {  	s0 =	sadd.s32 $0x8F2B, s0  }
0xbf: {  	[sflag:s0] =	ssyncadd.remote.s32 $0x1  }
0xc0: {  	_ =	sfence.sel $0xFFFF  }
0xc1: {  	[dreg:$0x0] =	wrdreg $0xFFFFFFFF;
	(pc) =	sbr.abs _section_cstart, $3  }
0xc2: {  	[dreg:$0x1] =	wrdreg $0xFFFFFFFF  }
0xc3: {  	_ =	task.clear_ibuf [dreg:s7], $0x2FFFF;
	_ =	strace $0x9FFFFFFF  }
0xc4: {  	(tm) =	ssettm $0x7FFFFFFF  }
0xc5: {  	_ =	shalt  }
tec
execute0_lowered:
.L_overlay_start_1:
0x0: {  	(tag) =	ssettag $0x1  }
0x1: {  	s7 =	rddreg [dreg:$0x0]  }
0x2: {  	s5 =	rddreg [dreg:$0x1]  }
0x3: {  	s2 =	rddreg [dreg:$0x2]  }
0x4: {  	s3 =	rddreg [dreg:$0x3]  }
0x5: {  	s0 =	rddreg [dreg:$0x4];
	s1 =	stileid.u32  }
0x6: {  	s6 =	srdreg.scid;
	s4 =	simm.s32 $0x0;
	s17 =	simm.s32 $0x2800  }
0x7: {  	s18 =	simm.s32 $0x80;
	s19 =	simm.s32 $0x5000;
	s20 =	simm.s32 $0x7000  }
0x8: {  	s21 =	simm.s32 $0x1;
	s22 =	simm.s32 $0x2;
	s23 =	simm.s32 $0x4F00  }
0x9: {  	s24 =	simm.s32 $0x4F80;
	s25 =	simm.s32 $0x0;
	s8 =	smul.u32 $0x9E00, s1  }
0xa: {  	s6 =	sand.u32 $0x1, s6;
	[smem:$0x7FF] =	sst s4;
	s15 =	sadd.s32 $0x94200, s3  }
0xb: {  	s31 =	sshll.u32 s1, $0x6;
	p0 =	seq.s32 s1, $0xF;
	s9 =	sshll.u32 s6, $0x4  }
0xc: {  	s10 =	smul.u32 $0x9E000, s6;
	_ =	strace $0x80000047;
	s6 =	ssub.s32 $0x2, s6  }
0xd: {  	s15 =	sshrl.u32 @p0 s15, $0x3;
	s9 =	sor.u32 s1, s9;
	s11 =	sshrl.u32 s8, $0x3  }
0xe: {  	s13 =	sshrl.u32 s6, $0x1;
	s14 =	sadd.s32 s8, s2;
	s16 =	sadd.s32 s8, s3  }
0xf: {  	s9 =	smul.u32 $0x500, s9;
	s10 =	sadd.s32 s8, s10;
	s12 =	sadd.s32 s11, s7  }
0x10: {  	s13 =	ssub.s32 s6, s13;
	s5 =	sadd.s32 s5, s11;
	s16 =	sshrl.u32 @!p0 s16, $0x3  }
0x11: {  	s10 =	sshrl.u32 s10, $0x3;
	s6 =	sadd.s32 $0x1400, s12;
	s11 =	smax.u32 s13, $0x1  }
0x12: {  	s12 =	sor.u32 $0x1C03, s31;
	s13 =	sshrl.u32 s14, $0x3;
	s14 =	simm.s32 $0x3  }
0x13: {  	s9 =	sadd.s32 s9, s7;
	s10 =	sadd.s32 s10, s7;
	s7 =	sadd.s32 $0x13C40, s7  }
0x14: {  	s8 =	sadd.s32 $0x1EE00, s9;
	s9 =	sadd.s32 $0x14E00, s9;
	s10 =	sadd.s32 $0x28E00, s10  }
.LBB2_1:
0x15: {  	_ =	strace $0x80000048  }
0x16: {  	[spmem:s13], [sflag:s12] =	dma.local [hbm:s5], $0x13C0  }
0x17: {  	_ =	swait.ge [sflag:s14], $0x13C0  }
0x18: {  	[sflag:s14] =	ssyncset.done $0x0  }
0x19: {  	s26 =	simm.s32 @p0 $0x3;
	[sflag:s14] =	ssyncadd.s32 $0xFFFFEC40  }
0x1a: {  	[spmem:s15], [sflag:s12] =	dma.local @p0 [hbm:s7], $0x1040  }
0x1b: {  	_ =	swait.ge @p0 [sflag:s26], $0x1040  }
0x1c: {  	[sflag:s26] =	ssyncset.done @p0 $0x0  }
0x1d: {  	[sflag:s26] =	ssyncadd.s32 @p0 $0xFFFFEFC0;
	s26 =	simm.s32 @!p0 $0x3  }
0x1e: {  	[spmem:s16], [sflag:s12] =	dma.local @!p0 [hbm:s6], $0x13C0  }
0x1f: {  	_ =	swait.ge @!p0 [sflag:s26], $0x13C0  }
0x20: {  	[sflag:s26] =	ssyncset.done @!p0 $0x0  }
0x21: {  	[sflag:s26] =	ssyncadd.s32 @!p0 $0xFFFFEC40  }
0x22: {  	[tilespmem:s4], [sflag:$0x3] =	stream.linear.gather [hbm4b:s8+s4], $0x2800, $0x200038;
	[tilespmem:$0x1CA40] =	vst v63  }
0x23: {  	_ =	swait.ge [sflag:s14], $0x2800  }
0x24: {  	[sflag:s14] =	ssyncset.done $0x0  }
0x25: {  	[sflag:s14] =	ssyncadd.s32 $0xFFFFD800  }
0x26: {  	[tilespmem:s17], [sflag:$0x3] =	stream.linear.gather [hbm4b:s9+s4], $0x2800, $0x200038;
	[tilespmem:$0x1CA40] =	vst v63  }
0x27: {  	_ =	swait.ge [sflag:s14], $0x2800  }
0x28: {  	[sflag:s14] =	ssyncset.done $0x0  }
0x29: {  	[sflag:s14] =	ssyncadd.s32 $0xFFFFD800  }
0x2a: {  	[bflag:$0x0] =	sbarrier.arrive $0xFFFF  }
0x2b: {  	_ =	strace $0x90000048  }
0x2c: {  	[tilespmem:s19], [sflag:$0x1] =	stream.indirect.gather [spmem:s3], $0x40, s4, s18, $0xb8;
	[tilespmem:$0x1CA40] =	vst v63  }
0x2d: {  	_ = 	snop  }
0x2e: {  	[tilespmem:s20], [sflag:$0x2] =	stream.indirect.gather [spmem:s3], $0x40, s18, s18, $0xb8;
	[tilespmem:$0x1CA40] =	vst v63  }
0x2f: {  	_ =	strace $0x80000049  }
0x30: {  	_ =	swait.ge [sflag:s21], $0x2000  }
0x31: {  	[sflag:s21] =	ssyncset.done $0x0  }
0x32: {  	s29 =	simm.s32 $0x2800;
	[sflag:s21] =	ssyncadd.s32 $0xFFFFE000  }
0x33: {  	[spmem:s2] =	stream.indirect.scatter.add.f32 [tilespmem:s19], [sflag:$0x3], $0x40, s29, s18, $0x2000b8;
	[tilespmem:$0x1CA40] =	vst v63  }
0x34: {  	_ =	swait.ge [sflag:s14], $0x2000  }
0x35: {  	[sflag:s14] =	ssyncset.done $0x0  }
0x36: {  	s30 =	simm.s32 $0x100;
	[sflag:s14] =	ssyncadd.s32 $0xFFFFE000  }
0x37: {  	[tilespmem:s19], [sflag:$0x1] =	stream.indirect.gather [spmem:s3], $0x40, s30, s18, $0x2000b8;
	[tilespmem:$0x1CA40] =	vst v63  }
0x38: {  	_ =	swait.ge [sflag:s22], $0x2000  }
0x39: {  	[sflag:s22] =	ssyncset.done $0x0  }
0x3a: {  	s31 =	simm.s32 $0x2880;
	[sflag:s22] =	ssyncadd.s32 $0xFFFFE000  }
0x3b: {  	[spmem:s2] =	stream.indirect.scatter.add.f32 [tilespmem:s20], [sflag:$0x3], $0x40, s31, s18, $0x2000b8;
	[tilespmem:$0x1CA40] =	vst v63  }
0x3c: {  	_ =	swait.ge [sflag:s14], $0x2000  }
0x3d: {  	[sflag:s14] =	ssyncset.done $0x0  }
0x3e: {  	s28 =	simm.s32 $0x180;
	s26 =	simm.s32 $0x400;
	[sflag:s14] =	ssyncadd.s32 $0xFFFFE000  }
.LBB2_2:
0x3f: {  	[tilespmem:s20], [sflag:$0x2] =	stream.indirect.gather [spmem:s3], $0x40, s28, s18, $0x2000b8;
	[tilespmem:$0x1CA40] =	vst v63  }
0x40: {  	s28 =	smov.u32 s26  }
0x41: {  	p1 =	sne.s32 s26, $0x9800;
	s26 =	sadd.s32 $0x400, s26;
	_ =	swait.ge [sflag:s21], $0x2000  }
0x42: {  	s28 =	sshra.s32 s28, $0x2;
	[sflag:s21] =	ssyncset.done $0x0  }
0x43: {  	s29 =	sadd.s32 $0x2800, s28;
	[sflag:s21] =	ssyncadd.s32 $0xFFFFE000  }
0x44: {  	[spmem:s2] =	stream.indirect.scatter.add.f32 [tilespmem:s19], [sflag:$0x3], $0x40, s29, s18, $0x2000b8;
	[tilespmem:$0x1CA40] =	vst v63  }
0x45: {  	_ =	swait.ge [sflag:s14], $0x2000  }
0x46: {  	[sflag:s14] =	ssyncset.done $0x0  }
0x47: {  	s29 =	sadd.s32 $0x100, s28;
	[sflag:s14] =	ssyncadd.s32 $0xFFFFE000  }
0x48: {  	[tilespmem:s19], [sflag:$0x1] =	stream.indirect.gather [spmem:s3], $0x40, s29, s18, $0x2000b8;
	[tilespmem:$0x1CA40] =	vst v63  }
0x49: {  	_ =	swait.ge [sflag:s22], $0x2000  }
0x4a: {  	[sflag:s22] =	ssyncset.done $0x0  }
.Ltmp0:
0x4b: {  	s29 =	sadd.s32 $0x2880, s28;
	[sflag:s22] =	ssyncadd.s32 $0xFFFFE000;
	(pc) =	sbr.rel @p1 .LBB2_2-.Ltmp0, $4  }
0x4c: {  	[spmem:s2] =	stream.indirect.scatter.add.f32 [tilespmem:s20], [sflag:$0x3], $0x40, s29, s18, $0x2000b8;
	[tilespmem:$0x1CA40] =	vst v63  }
0x4d: {  	_ =	swait.ge [sflag:s14], $0x2000  }
0x4e: {  	[sflag:s14] =	ssyncset.done $0x0  }
0x4f: {  	s28 =	sadd.s32 $0x180, s28;
	[sflag:s14] =	ssyncadd.s32 $0xFFFFE000  }
0x50: {  	[tilespmem:s20], [sflag:$0x2] =	stream.indirect.gather [spmem:s3], $0x40, s28, s18, $0x2000b8;
	[tilespmem:$0x1CA40] =	vst v63  }
0x51: {  	_ =	swait.ge [sflag:s21], $0x2000  }
0x52: {  	[sflag:s21] =	ssyncset.done $0x0  }
0x53: {  	[sflag:s21] =	ssyncadd.s32 $0xFFFFE000  }
0x54: {  	[spmem:s2] =	stream.indirect.scatter.add.f32 [tilespmem:s19], [sflag:$0x3], $0x40, s23, s18, $0x2000b8;
	[tilespmem:$0x1CA40] =	vst v63  }
0x55: {  	_ =	swait.ge [sflag:s14], $0x2000  }
0x56: {  	[sflag:s14] =	ssyncset.done $0x0  }
0x57: {  	[sflag:s14] =	ssyncadd.s32 $0xFFFFE000  }
0x58: {  	_ =	swait.ge [sflag:s22], $0x2000  }
0x59: {  	[sflag:s22] =	ssyncset.done $0x0  }
0x5a: {  	[sflag:s22] =	ssyncadd.s32 $0xFFFFE000  }
0x5b: {  	[spmem:s2] =	stream.indirect.scatter.add.f32 [tilespmem:s20], [sflag:$0x3], $0x40, s24, s18, $0x2000b8;
	[tilespmem:$0x1CA40] =	vst v63  }
0x5c: {  	_ =	swait.ge [sflag:s14], $0x2000  }
0x5d: {  	[sflag:s14] =	ssyncset.done $0x0  }
0x5e: {  	[sflag:s14] =	ssyncadd.s32 $0xFFFFE000  }
0x5f: {  	[bflag:$0x0] =	sbarrier.arrive $0xFFFF  }
0x60: {  	s25 =	sadd.s32 $0x1, s25;
	_ =	strace $0x90000049  }
0x61: {  	p1 =	sne.s32 s25, s11;
	_ =	strace $0x8000004A  }
0x62: {  	[hbm:s10], [sflag:s12] =	dma.local [spmem:s13], $0x13C0  }
.Ltmp1:
0x63: {  	_ = 	snop;
	(pc) =	sbr.rel @p1 .LBB2_1-.Ltmp1, $4  }
0x64: {  	_ =	swait.ge [sflag:s14], $0x13C0  }
0x65: {  	[sflag:s14] =	ssyncset.done $0x0  }
0x66: {  	[sflag:s14] =	ssyncadd.s32 $0xFFFFEC40  }
0x67: {  	_ =	strace $0x9000004A  }
0x68: {  	_ =	sfence.sel $0x180000  }
0x69: {  	[bflag:$0x0] =	sbarrier.arrive $0xFFFF  }
0x6a: {  	p0 =	sne.s32 s1, $0x0;
	_ =	strace $0x90000047  }
0x6b: {  	s0 =	sadd.s32 @!p0 $0x100000, s0;
	[bflag:$0x2] =	sbarrier.arrive $0xFFFF  }
0x6c: {  	[sflag:s0] =	ssyncadd.tile.s32 @!p0 $0x1;
	_ =	shalt  }
.Lfunc_end2:
_tile_overlayer_lowered:
.L_overlay_start_2:
0x6d: {  	(tag) =	ssettag $0x2  }
0x6e: {  	s0 =	rddreg [dreg:$0x0];
	s2 =	stileid.u32  }
0x6f: {  	s1 =	rddreg [dreg:$0x1];
	p0 =	sne.s32 s2, $0x0  }
0x70: {  	s3 =	rddreg [dreg:$0x2];
	[bflag:$0x3] =	sbarrier.arrive $0xFFFF;
	s2 =	simm.s32 @!p0 $0x1C03  }
0x71: {  	[timem:s3], [sflag:s2] =	dma.local @!p0 [hbm:s0], s1  }
0x72: {  	s0 =	simm.s32 @!p0 $0x3  }
0x73: {  	_ =	swait.ge @!p0 [sflag:s0], s1  }
0x74: {  	s1 =	ssub.s32 @!p0 $0x0, s1;
	[sflag:s0] =	ssyncset.done @!p0 $0x0  }
0x75: {  	[sflag:s0] =	ssyncadd.s32 @!p0 s1  }
0x76: {  	[bflag:$0x3] =	sbarrier.arrive $0xFFFF  }
0x77: {  	_ =	shalt  }

</sc_bundles>
